<compile_context>
chip_gen: v7x
topology: tpu7x:2x2x1
jax: 0.10.2.dev20260603
libtpu: 0.0.44.dev20260713+nightly
codegen_flags: <defaults>
</compile_context>

<pallas_src>
import functools

import jax
import jax.numpy as jnp
from jax import lax
from jax.experimental import pallas as pl
from jax.experimental.pallas import tpu as pltpu
from jax.experimental.pallas import tpu_sc as plsc

B, T, D, FF = 2, 2048, 1024, 4096
CAP = T // 2
RC = 256


def _router_body(x_ref, w_ref, perm_ref):
    xb = x_ref[0]
    w = w_ref[...]
    s_col = lax.dot_general(
        xb.astype(jnp.bfloat16), w.astype(jnp.bfloat16),
        (((1,), (0,)), ((), ())),
        preferred_element_type=jnp.float32)

    pieces = []
    for c in range(T // RC):
        ii = lax.broadcasted_iota(jnp.int32, (T, RC), 0)
        jj = lax.broadcasted_iota(jnp.int32, (T, RC), 1)
        sel = ii == (jj + c * RC)
        pieces.append(jnp.max(jnp.where(sel, s_col, -jnp.inf), axis=0,
                              keepdims=True))
    s_row = jnp.concatenate(pieces, axis=1)

    rank_chunks = []
    for c in range(T // RC):
        sc = s_col[c * RC:(c + 1) * RC]
        iid = lax.broadcasted_iota(jnp.int32, (RC, 1), 0) + c * RC
        jid = lax.broadcasted_iota(jnp.int32, (RC, T), 1)
        beats = (s_row > sc) | ((s_row == sc) & (jid < iid))
        rank_chunks.append(
            jnp.sum(beats.astype(jnp.float32), axis=1, keepdims=True))
    ranks = jnp.concatenate(rank_chunks, axis=0).astype(jnp.int32)

    base = pl.program_id(0) * T
    ival = lax.broadcasted_iota(jnp.int32, (T, RC), 0).astype(jnp.float32)
    for c in range(T // RC):
        rr = lax.broadcasted_iota(jnp.int32, (T, RC), 1) + c * RC
        onehot = ranks == rr
        vals = jnp.sum(jnp.where(onehot, ival, 0.0), axis=0, keepdims=True)
        perm_ref[:, :, c * RC:(c + 1) * RC] = vals.astype(jnp.int32)[None] + base


def _router(x, w_router):
    return pl.pallas_call(
        _router_body,
        grid=(B,),
        in_specs=[pl.BlockSpec((1, T, D), lambda b: (b, 0, 0)),
                  pl.BlockSpec((D, 1), lambda b: (0, 0))],
        out_specs=pl.BlockSpec((1, 1, T), lambda b: (b, 0, 0)),
        out_shape=jax.ShapeDtypeStruct((B, 1, T), jnp.int32),
    )(x, w_router).reshape(B, T)


_NW = 32
_RG = (B * CAP) // _NW


def _sel_offset(wid):
    b = wid // (CAP // _RG)
    r0 = wid * _RG - b * CAP
    return b * T + r0, b * T + CAP + r0


@functools.cache
def _sc_kernels():
    info = plsc.get_sparse_core_info()
    nc = info.num_cores
    assert nc * info.num_subcores == _NW
    mesh = plsc.VectorSubcoreMesh(core_axis_name="c", subcore_axis_name="s")

    @functools.partial(
        pl.kernel, mesh=mesh,
        out_type=jax.ShapeDtypeStruct((B * CAP, D), jnp.float32),
        scratch_types=[pltpu.VMEM((_RG,), jnp.int32),
                       pltpu.VMEM((_RG, D), jnp.float32),
                       pltpu.SemaphoreType.DMA])
    def sc_gather(x2_hbm, gidx_hbm, out_hbm, idx_v, rows_v, sem):
        wid = lax.axis_index("s") * nc + lax.axis_index("c")
        off_sel, _ = _sel_offset(wid)
        pltpu.sync_copy(gidx_hbm.at[pl.ds(off_sel, _RG)], idx_v)
        pltpu.async_copy(x2_hbm.at[idx_v], rows_v, sem).wait()
        pltpu.sync_copy(rows_v, out_hbm.at[pl.ds(wid * _RG, _RG)])

    @functools.partial(
        pl.kernel, mesh=mesh, out_type=(),
        scratch_types=[pltpu.VMEM((_RG, D), jnp.float32),
                       pltpu.VMEM((_RG, D), jnp.float32)])
    def sc_init_copy(x2_hbm, out_hbm, buf_a, buf_b):
        wid = lax.axis_index("s") * nc + lax.axis_index("c")
        base = wid * ((B * T) // _NW)
        for c, buf in ((0, buf_a), (1, buf_b)):
            pltpu.sync_copy(x2_hbm.at[pl.ds(base + c * _RG, _RG)], buf)
            pltpu.sync_copy(buf, out_hbm.at[pl.ds(base + c * _RG, _RG)])

    @functools.partial(
        pl.kernel, mesh=mesh, out_type=(),
        scratch_types=[pltpu.VMEM((_RG,), jnp.int32),
                       pltpu.VMEM((_RG, D), jnp.float32),
                       pltpu.SemaphoreType.DMA])
    def sc_scatter(proc_hbm, gidx_hbm, out_hbm, idx_v, rows_v, sem):
        wid = lax.axis_index("s") * nc + lax.axis_index("c")
        off_sel, _ = _sel_offset(wid)
        pltpu.sync_copy(gidx_hbm.at[pl.ds(off_sel, _RG)], idx_v)
        pltpu.sync_copy(proc_hbm.at[pl.ds(wid * _RG, _RG)], rows_v)
        pltpu.async_copy(rows_v, out_hbm.at[idx_v], sem).wait()

    return sc_gather, sc_scatter, sc_init_copy


_FC = 1024


def _mlp_body(sel_ref, w1_ref, b1_ref, w2_ref, b2_ref, out_ref):
    k = pl.program_id(0)
    h = lax.dot_general(sel_ref[...], w1_ref[...], (((1,), (0,)), ((), ())),
                        preferred_element_type=jnp.float32)
    h = jax.nn.gelu(h + b1_ref[...])
    o = lax.dot_general(h, w2_ref[...], (((1,), (0,)), ((), ())),
                        preferred_element_type=jnp.float32)

    @pl.when(k == 0)
    def _():
        out_ref[...] = o + b2_ref[...]

    @pl.when(k != 0)
    def _():
        out_ref[...] += o


def _mlp(selected, w1b, b1r, w2b, b2r):
    n = B * CAP
    return pl.pallas_call(
        _mlp_body,
        grid=(FF // _FC,),
        in_specs=[pl.BlockSpec((n, D), lambda k: (0, 0)),
                  pl.BlockSpec((D, _FC), lambda k: (0, k)),
                  pl.BlockSpec((1, _FC), lambda k: (0, k)),
                  pl.BlockSpec((_FC, D), lambda k: (k, 0)),
                  pl.BlockSpec((1, D), lambda k: (0, 0))],
        out_specs=pl.BlockSpec((n, D), lambda k: (0, 0)),
        out_shape=jax.ShapeDtypeStruct((n, D), jnp.float32),
        compiler_params=pltpu.CompilerParams(
            dimension_semantics=("arbitrary",)),
    )(selected, w1b, b1r, w2b, b2r)


def kernel(x, W_router, W1, b1, W2, b2):
    sc_gather, sc_scatter, sc_init_copy = _sc_kernels()
    x2 = x.reshape(B * T, D)
    out_ref = jax.new_ref(lax.empty((B * T, D), jnp.float32))
    sc_init_copy(x2, out_ref)
    glob_perm = _router(x, W_router)
    gidx = glob_perm.reshape(B * T)
    selected = sc_gather(x2, gidx)
    processed = _mlp(selected, W1, b1.reshape(1, FF), W2, b2.reshape(1, D))
    sc_scatter(processed, gidx, out_ref)
    return jax.freeze(out_ref).reshape(B, T, D)

# --- scband reference (transcript-rebuilt; emitter-appended) ---
"""Pipeline reference for scband-mixture-of-depths-40355512714062 (READ-ONLY COPY).

The authoritative reference and input builder live on the scoring server;
editing this copy changes nothing except your own understanding.
"""

import jax, jax.numpy as jnp
import numpy as np

B, T, D, FF = 2, 2048, 1024, 4096
CAPACITY_FRAC = 0.5


def setup_inputs(seed: int = 0) -> dict:
    key = jax.random.key(seed)
    ks = jax.random.split(key, 5)
    x = jax.random.normal(ks[0], (B, T, D), dtype=jnp.float32)
    W_router = jax.random.normal(ks[1], (D, 1), dtype=jnp.float32) / np.sqrt(D)
    W1 = jax.random.normal(ks[2], (D, FF), dtype=jnp.float32) / np.sqrt(D)
    b1 = jnp.zeros((FF,), dtype=jnp.float32)
    W2 = jax.random.normal(ks[3], (FF, D), dtype=jnp.float32) / np.sqrt(FF)
    b2 = jnp.zeros((D,), dtype=jnp.float32)
    return {"x": x, "W_router": W_router, "W1": W1, "b1": b1, "W2": W2, "b2": b2}


def reference(x, W_router, W1, b1, W2, b2):
    Bx, Tx, Dx = x.shape
    capacity = max(1, int(Tx * CAPACITY_FRAC))
    # router: Linear(d_model, 1, bias=False), then squeeze
    scores = jnp.squeeze(x @ W_router, axis=-1)  # [B, T]
    _, tok_idx = jax.lax.top_k(scores, capacity)  # [B, capacity]
    # gather selected tokens along the sequence dim
    selected = jnp.take_along_axis(x, tok_idx[:, :, None], axis=1)  # [B, cap, D]
    # block: MLP Linear -> GELU -> Linear
    h = jax.nn.gelu(selected @ W1 + b1)
    processed = h @ W2 + b2  # [B, cap, D]
    # scatter processed tokens back into a copy of x (overwrite)
    out = jax.vmap(lambda xb, idx, pb: xb.at[idx].set(pb))(x, tok_idx, processed)
    return out

if __name__ == "__main__":
    import jax
    _d = setup_inputs()
    print(jax.jit(kernel)(*tuple(_d.values())))

</pallas_src>

<mosaic_0001>
#map = affine_map<(d0, d1) -> (0, 0)>
#map1 = affine_map<(d0, d1) -> (0)>
module attributes {stable_mosaic.version = 14 : i64} {
  func.func @sc_gather(%arg0: i32, %arg1: i32, %arg2: memref<4096x1024xf32, #tpu.memory_space<hbm>>, %arg3: memref<4096xi32, #tpu.memory_space<hbm>>, %arg4: memref<2048x1024xf32, #tpu.memory_space<hbm>>, %arg5: memref<64xi32, #tpu.memory_space<vmem>>, %arg6: memref<64x1024xf32, #tpu.memory_space<vmem>>, %arg7: memref<!tpu.dma_semaphore, #tpu.memory_space<semaphore_mem>>) attributes {dimension_semantics = [#tpu.dimension_semantics<core_parallel>, #tpu.dimension_semantics<subcore_parallel>], iteration_bounds = array<i64: 2, 16>, scalar_prefetch = 0 : i64, scratch_operands = 3 : i64, tpu.core_type = #tpu.core_type<sc_vector_subcore>, window_params = [{transform_indices = #map}, {transform_indices = #map1}, {transform_indices = #map}]} {
    %mul3A = arith.constant 2 : i32
    %mul3A_0 = arith.muli %arg1, %mul3A : i32
    %add3A = arith.addi %mul3A_0, %arg0 : i32
    %jit3A = arith.constant 16 : i32
    %div3A = arith.divsi %add3A, %jit3A : i32
    %sign3A = arith.constant 0 : i32
    %sign3A_1 = arith.cmpi sgt, %add3A, %sign3A : i32
    %sign3A_2 = arith.extui %sign3A_1 : i1 to i32
    %sign3A_3 = arith.constant 0 : i32
    %sign3A_4 = arith.cmpi slt, %add3A, %sign3A_3 : i32
    %sign3A_5 = arith.extui %sign3A_4 : i1 to i32
    %sign3A_6 = arith.subi %sign3A_2, %sign3A_5 : i32
    %sign3A_7 = arith.constant 0 : i32
    %sign3A_8 = arith.cmpi sgt, %jit3A, %sign3A_7 : i32
    %sign3A_9 = arith.extui %sign3A_8 : i1 to i32
    %sign3A_10 = arith.constant 0 : i32
    %sign3A_11 = arith.cmpi slt, %jit3A, %sign3A_10 : i32
    %sign3A_12 = arith.extui %sign3A_11 : i1 to i32
    %sign3A_13 = arith.subi %sign3A_9, %sign3A_12 : i32
    %ne3A = arith.cmpi ne, %sign3A_6, %sign3A_13 : i32
    %rem3A = arith.remsi %add3A, %jit3A : i32
    %ne3A_14 = arith.constant 0 : i32
    %ne3A_15 = arith.cmpi ne, %rem3A, %ne3A_14 : i32
    %and3A = arith.andi %ne3A, %ne3A_15 : i1
    %sub3A = arith.constant 1 : i32
    %sub3A_16 = arith.subi %div3A, %sub3A : i32
    %select_n3A = arith.select %and3A, %sub3A_16, %div3A : i32
    %mul3A_17 = arith.constant 64 : i32
    %mul3A_18 = arith.muli %add3A, %mul3A_17 : i32
    %mul3A_19 = arith.constant 1024 : i32
    %mul3A_20 = arith.muli %select_n3A, %mul3A_19 : i32
    %sub3A_21 = arith.subi %mul3A_18, %mul3A_20 : i32
    %mul3A_22 = arith.constant 2048 : i32
    %mul3A_23 = arith.muli %select_n3A, %mul3A_22 : i32
    %add3A_24 = arith.addi %mul3A_23, %sub3A_21 : i32
    %mul3A_25 = arith.constant 2048 : i32
    %mul3A_26 = arith.muli %select_n3A, %mul3A_25 : i32
    %add3A_27 = arith.constant 1024 : i32
    %add3A_28 = arith.addi %mul3A_26, %add3A_27 : i32
    %add3A_29 = arith.addi %add3A_28, %sub3A_21 : i32
    "tpu.region"() ({
      %run_scoped3A = tpu.sem_alloc : memref<!tpu.dma_semaphore, #tpu.memory_space<semaphore_mem>>
      %dma_start3A_36 = tpu.memref_slice %arg3[%add3A_24] : memref<4096xi32, #tpu.memory_space<hbm>> -> memref<64xi32, #tpu.memory_space<hbm>>
      %dma_start3A_37 = tpu.memref_slice %arg3[%add3A_24] : memref<4096xi32, #tpu.memory_space<hbm>> -> memref<64xi32, #tpu.memory_space<hbm>>
      tpu.enqueue_dma source(%dma_start3A_37 : memref<64xi32, #tpu.memory_space<hbm>>) target(%arg5 : memref<64xi32, #tpu.memory_space<vmem>>) target_semaphore(%run_scoped3A : memref<!tpu.dma_semaphore, #tpu.memory_space<semaphore_mem>>)
      %dma_wait3A_38 = tpu.memref_slice %arg3[%add3A_24] : memref<4096xi32, #tpu.memory_space<hbm>> -> memref<64xi32, #tpu.memory_space<hbm>>
      %dma_wait3A_39 = tpu.memref_slice %arg3[%add3A_24] : memref<4096xi32, #tpu.memory_space<hbm>> -> memref<64xi32, #tpu.memory_space<hbm>>
      tpu.wait_dma2 semaphore(%run_scoped3A : memref<!tpu.dma_semaphore, #tpu.memory_space<semaphore_mem>>) src(%dma_wait3A_39 : memref<64xi32, #tpu.memory_space<hbm>>) dst(%arg5 : memref<64xi32, #tpu.memory_space<vmem>>)
      tpu.yield
    }) : () -> ()
    %dma_start3A = arith.constant 0 : i32
    %dma_start3A_30 = arith.constant 0 : i32
    %dma_start3A_31 = tpu.memref_slice %arg2[%dma_start3A, %dma_start3A_30] : memref<4096x1024xf32, #tpu.memory_space<hbm>> -> memref<4096x1024xf32, #tpu.memory_space<hbm>>
    tpu.enqueue_indirect_dma source(%dma_start3A_31 : memref<4096x1024xf32, #tpu.memory_space<hbm>>) target(%arg6 : memref<64x1024xf32, #tpu.memory_space<vmem>>) offsets(%arg5 : memref<64xi32, #tpu.memory_space<vmem>>) semaphore(%arg7 : memref<!tpu.dma_semaphore, #tpu.memory_space<semaphore_mem>>)
    %dma_wait3A = arith.constant 0 : i32
    %dma_wait3A_32 = arith.constant 0 : i32
    %dma_wait3A_33 = tpu.memref_slice %arg2[%dma_wait3A, %dma_wait3A_32] : memref<4096x1024xf32, #tpu.memory_space<hbm>> -> memref<4096x1024xf32, #tpu.memory_space<hbm>>
    tpu.wait_indirect_dma semaphore(%arg7 : memref<!tpu.dma_semaphore, #tpu.memory_space<semaphore_mem>>) src(%dma_wait3A_33 : memref<4096x1024xf32, #tpu.memory_space<hbm>>) dst(%arg6 : memref<64x1024xf32, #tpu.memory_space<vmem>>)
    %mul3A_34 = arith.constant 64 : i32
    %mul3A_35 = arith.muli %add3A, %mul3A_34 : i32
    "tpu.region"() ({
      %run_scoped3A = tpu.sem_alloc : memref<!tpu.dma_semaphore, #tpu.memory_space<semaphore_mem>>
      %dma_start3A_36 = arith.constant 0 : i32
      %dma_start3A_37 = tpu.memref_slice %arg4[%mul3A_35, %dma_start3A_36] : memref<2048x1024xf32, #tpu.memory_space<hbm>> -> memref<64x1024xf32, #tpu.memory_space<hbm>>
      %dma_start3A_38 = arith.constant 0 : i32
      %dma_start3A_39 = tpu.memref_slice %arg4[%mul3A_35, %dma_start3A_38] : memref<2048x1024xf32, #tpu.memory_space<hbm>> -> memref<64x1024xf32, #tpu.memory_space<hbm>>
      tpu.enqueue_dma source(%arg6 : memref<64x1024xf32, #tpu.memory_space<vmem>>) target(%dma_start3A_39 : memref<64x1024xf32, #tpu.memory_space<hbm>>) target_semaphore(%run_scoped3A : memref<!tpu.dma_semaphore, #tpu.memory_space<semaphore_mem>>)
      %dma_wait3A_40 = arith.constant 0 : i32
      %dma_wait3A_41 = tpu.memref_slice %arg4[%mul3A_35, %dma_wait3A_40] : memref<2048x1024xf32, #tpu.memory_space<hbm>> -> memref<64x1024xf32, #tpu.memory_space<hbm>>
      %dma_wait3A_42 = arith.constant 0 : i32
      %dma_wait3A_43 = tpu.memref_slice %arg4[%mul3A_35, %dma_wait3A_42] : memref<2048x1024xf32, #tpu.memory_space<hbm>> -> memref<64x1024xf32, #tpu.memory_space<hbm>>
      tpu.wait_dma2 semaphore(%run_scoped3A : memref<!tpu.dma_semaphore, #tpu.memory_space<semaphore_mem>>) src(%arg6 : memref<64x1024xf32, #tpu.memory_space<vmem>>) dst(%dma_wait3A_43 : memref<64x1024xf32, #tpu.memory_space<hbm>>)
      tpu.yield
    }) : () -> ()
    return
  }
}

#map = affine_map<(d0, d1) -> (0, 0)>
module attributes {stable_mosaic.version = 14 : i64} {
  func.func @new_body(%arg0: i32, %arg1: i32, %arg2: memref<4096x1024xf32, #tpu.memory_space<hbm>>, %arg3: memref<4096x1024xf32, #tpu.memory_space<hbm>>, %arg4: memref<4096x1024xf32, #tpu.memory_space<hbm>>, %arg5: memref<64x1024xf32, #tpu.memory_space<vmem>>, %arg6: memref<64x1024xf32, #tpu.memory_space<vmem>>) attributes {dimension_semantics = [#tpu.dimension_semantics<core_parallel>, #tpu.dimension_semantics<subcore_parallel>], iteration_bounds = array<i64: 2, 16>, scalar_prefetch = 0 : i64, scratch_operands = 2 : i64, tpu.core_type = #tpu.core_type<sc_vector_subcore>, window_params = [{transform_indices = #map}, {transform_indices = #map}, {transform_indices = #map}]} {
    %mul3A = arith.constant 2 : i32
    %mul3A_0 = arith.muli %arg1, %mul3A : i32
    %add3A = arith.addi %mul3A_0, %arg0 : i32
    %mul3A_1 = arith.constant 128 : i32
    %mul3A_2 = arith.muli %add3A, %mul3A_1 : i32
    %add3A_3 = arith.constant 0 : i32
    %add3A_4 = arith.addi %mul3A_2, %add3A_3 : i32
    "tpu.region"() ({
      %run_scoped3A = tpu.sem_alloc : memref<!tpu.dma_semaphore, #tpu.memory_space<semaphore_mem>>
      %dma_start3A = arith.constant 0 : i32
      %dma_start3A_11 = tpu.memref_slice %arg2[%add3A_4, %dma_start3A] : memref<4096x1024xf32, #tpu.memory_space<hbm>> -> memref<64x1024xf32, #tpu.memory_space<hbm>>
      %dma_start3A_12 = arith.constant 0 : i32
      %dma_start3A_13 = tpu.memref_slice %arg2[%add3A_4, %dma_start3A_12] : memref<4096x1024xf32, #tpu.memory_space<hbm>> -> memref<64x1024xf32, #tpu.memory_space<hbm>>
      tpu.enqueue_dma source(%dma_start3A_13 : memref<64x1024xf32, #tpu.memory_space<hbm>>) target(%arg5 : memref<64x1024xf32, #tpu.memory_space<vmem>>) target_semaphore(%run_scoped3A : memref<!tpu.dma_semaphore, #tpu.memory_space<semaphore_mem>>)
      %dma_wait3A = arith.constant 0 : i32
      %dma_wait3A_14 = tpu.memref_slice %arg2[%add3A_4, %dma_wait3A] : memref<4096x1024xf32, #tpu.memory_space<hbm>> -> memref<64x1024xf32, #tpu.memory_space<hbm>>
      %dma_wait3A_15 = arith.constant 0 : i32
      %dma_wait3A_16 = tpu.memref_slice %arg2[%add3A_4, %dma_wait3A_15] : memref<4096x1024xf32, #tpu.memory_space<hbm>> -> memref<64x1024xf32, #tpu.memory_space<hbm>>
      tpu.wait_dma2 semaphore(%run_scoped3A : memref<!tpu.dma_semaphore, #tpu.memory_space<semaphore_mem>>) src(%dma_wait3A_16 : memref<64x1024xf32, #tpu.memory_space<hbm>>) dst(%arg5 : memref<64x1024xf32, #tpu.memory_space<vmem>>)
      tpu.yield
    }) : () -> ()
    %add3A_5 = arith.constant 0 : i32
    %add3A_6 = arith.addi %mul3A_2, %add3A_5 : i32
    "tpu.region"() ({
      %run_scoped3A = tpu.sem_alloc : memref<!tpu.dma_semaphore, #tpu.memory_space<semaphore_mem>>
      %dma_start3A = arith.constant 0 : i32
      %dma_start3A_11 = tpu.memref_slice %arg3[%add3A_6, %dma_start3A] : memref<4096x1024xf32, #tpu.memory_space<hbm>> -> memref<64x1024xf32, #tpu.memory_space<hbm>>
      %dma_start3A_12 = arith.constant 0 : i32
      %dma_start3A_13 = tpu.memref_slice %arg3[%add3A_6, %dma_start3A_12] : memref<4096x1024xf32, #tpu.memory_space<hbm>> -> memref<64x1024xf32, #tpu.memory_space<hbm>>
      tpu.enqueue_dma source(%arg5 : memref<64x1024xf32, #tpu.memory_space<vmem>>) target(%dma_start3A_13 : memref<64x1024xf32, #tpu.memory_space<hbm>>) target_semaphore(%run_scoped3A : memref<!tpu.dma_semaphore, #tpu.memory_space<semaphore_mem>>)
      %dma_wait3A = arith.constant 0 : i32
      %dma_wait3A_14 = tpu.memref_slice %arg3[%add3A_6, %dma_wait3A] : memref<4096x1024xf32, #tpu.memory_space<hbm>> -> memref<64x1024xf32, #tpu.memory_space<hbm>>
      %dma_wait3A_15 = arith.constant 0 : i32
      %dma_wait3A_16 = tpu.memref_slice %arg3[%add3A_6, %dma_wait3A_15] : memref<4096x1024xf32, #tpu.memory_space<hbm>> -> memref<64x1024xf32, #tpu.memory_space<hbm>>
      tpu.wait_dma2 semaphore(%run_scoped3A : memref<!tpu.dma_semaphore, #tpu.memory_space<semaphore_mem>>) src(%arg5 : memref<64x1024xf32, #tpu.memory_space<vmem>>) dst(%dma_wait3A_16 : memref<64x1024xf32, #tpu.memory_space<hbm>>)
      tpu.yield
    }) : () -> ()
    %add3A_7 = arith.constant 64 : i32
    %add3A_8 = arith.addi %mul3A_2, %add3A_7 : i32
    "tpu.region"() ({
      %run_scoped3A = tpu.sem_alloc : memref<!tpu.dma_semaphore, #tpu.memory_space<semaphore_mem>>
      %dma_start3A = arith.constant 0 : i32
      %dma_start3A_11 = tpu.memref_slice %arg2[%add3A_8, %dma_start3A] : memref<4096x1024xf32, #tpu.memory_space<hbm>> -> memref<64x1024xf32, #tpu.memory_space<hbm>>
      %dma_start3A_12 = arith.constant 0 : i32
      %dma_start3A_13 = tpu.memref_slice %arg2[%add3A_8, %dma_start3A_12] : memref<4096x1024xf32, #tpu.memory_space<hbm>> -> memref<64x1024xf32, #tpu.memory_space<hbm>>
      tpu.enqueue_dma source(%dma_start3A_13 : memref<64x1024xf32, #tpu.memory_space<hbm>>) target(%arg6 : memref<64x1024xf32, #tpu.memory_space<vmem>>) target_semaphore(%run_scoped3A : memref<!tpu.dma_semaphore, #tpu.memory_space<semaphore_mem>>)
      %dma_wait3A = arith.constant 0 : i32
      %dma_wait3A_14 = tpu.memref_slice %arg2[%add3A_8, %dma_wait3A] : memref<4096x1024xf32, #tpu.memory_space<hbm>> -> memref<64x1024xf32, #tpu.memory_space<hbm>>
      %dma_wait3A_15 = arith.constant 0 : i32
      %dma_wait3A_16 = tpu.memref_slice %arg2[%add3A_8, %dma_wait3A_15] : memref<4096x1024xf32, #tpu.memory_space<hbm>> -> memref<64x1024xf32, #tpu.memory_space<hbm>>
      tpu.wait_dma2 semaphore(%run_scoped3A : memref<!tpu.dma_semaphore, #tpu.memory_space<semaphore_mem>>) src(%dma_wait3A_16 : memref<64x1024xf32, #tpu.memory_space<hbm>>) dst(%arg6 : memref<64x1024xf32, #tpu.memory_space<vmem>>)
      tpu.yield
    }) : () -> ()
    %add3A_9 = arith.constant 64 : i32
    %add3A_10 = arith.addi %mul3A_2, %add3A_9 : i32
    "tpu.region"() ({
      %run_scoped3A = tpu.sem_alloc : memref<!tpu.dma_semaphore, #tpu.memory_space<semaphore_mem>>
      %dma_start3A = arith.constant 0 : i32
      %dma_start3A_11 = tpu.memref_slice %arg3[%add3A_10, %dma_start3A] : memref<4096x1024xf32, #tpu.memory_space<hbm>> -> memref<64x1024xf32, #tpu.memory_space<hbm>>
      %dma_start3A_12 = arith.constant 0 : i32
      %dma_start3A_13 = tpu.memref_slice %arg3[%add3A_10, %dma_start3A_12] : memref<4096x1024xf32, #tpu.memory_space<hbm>> -> memref<64x1024xf32, #tpu.memory_space<hbm>>
      tpu.enqueue_dma source(%arg6 : memref<64x1024xf32, #tpu.memory_space<vmem>>) target(%dma_start3A_13 : memref<64x1024xf32, #tpu.memory_space<hbm>>) target_semaphore(%run_scoped3A : memref<!tpu.dma_semaphore, #tpu.memory_space<semaphore_mem>>)
      %dma_wait3A = arith.constant 0 : i32
      %dma_wait3A_14 = tpu.memref_slice %arg3[%add3A_10, %dma_wait3A] : memref<4096x1024xf32, #tpu.memory_space<hbm>> -> memref<64x1024xf32, #tpu.memory_space<hbm>>
      %dma_wait3A_15 = arith.constant 0 : i32
      %dma_wait3A_16 = tpu.memref_slice %arg3[%add3A_10, %dma_wait3A_15] : memref<4096x1024xf32, #tpu.memory_space<hbm>> -> memref<64x1024xf32, #tpu.memory_space<hbm>>
      tpu.wait_dma2 semaphore(%run_scoped3A : memref<!tpu.dma_semaphore, #tpu.memory_space<semaphore_mem>>) src(%arg6 : memref<64x1024xf32, #tpu.memory_space<vmem>>) dst(%dma_wait3A_16 : memref<64x1024xf32, #tpu.memory_space<hbm>>)
      tpu.yield
    }) : () -> ()
    return
  }
}

#map = affine_map<(d0, d1) -> (0, 0)>
#map1 = affine_map<(d0, d1) -> (0)>
module attributes {stable_mosaic.version = 14 : i64} {
  func.func @new_body(%arg0: i32, %arg1: i32, %arg2: memref<2048x1024xf32, #tpu.memory_space<hbm>>, %arg3: memref<4096xi32, #tpu.memory_space<hbm>>, %arg4: memref<4096x1024xf32, #tpu.memory_space<hbm>>, %arg5: memref<4096x1024xf32, #tpu.memory_space<hbm>>, %arg6: memref<64xi32, #tpu.memory_space<vmem>>, %arg7: memref<64x1024xf32, #tpu.memory_space<vmem>>, %arg8: memref<!tpu.dma_semaphore, #tpu.memory_space<semaphore_mem>>) attributes {dimension_semantics = [#tpu.dimension_semantics<core_parallel>, #tpu.dimension_semantics<subcore_parallel>], iteration_bounds = array<i64: 2, 16>, scalar_prefetch = 0 : i64, scratch_operands = 3 : i64, tpu.core_type = #tpu.core_type<sc_vector_subcore>, window_params = [{transform_indices = #map}, {transform_indices = #map1}, {transform_indices = #map}, {transform_indices = #map}]} {
    %mul3A = arith.constant 2 : i32
    %mul3A_0 = arith.muli %arg1, %mul3A : i32
    %add3A = arith.addi %mul3A_0, %arg0 : i32
    %jit3A = arith.constant 16 : i32
    %div3A = arith.divsi %add3A, %jit3A : i32
    %sign3A = arith.constant 0 : i32
    %sign3A_1 = arith.cmpi sgt, %add3A, %sign3A : i32
    %sign3A_2 = arith.extui %sign3A_1 : i1 to i32
    %sign3A_3 = arith.constant 0 : i32
    %sign3A_4 = arith.cmpi slt, %add3A, %sign3A_3 : i32
    %sign3A_5 = arith.extui %sign3A_4 : i1 to i32
    %sign3A_6 = arith.subi %sign3A_2, %sign3A_5 : i32
    %sign3A_7 = arith.constant 0 : i32
    %sign3A_8 = arith.cmpi sgt, %jit3A, %sign3A_7 : i32
    %sign3A_9 = arith.extui %sign3A_8 : i1 to i32
    %sign3A_10 = arith.constant 0 : i32
    %sign3A_11 = arith.cmpi slt, %jit3A, %sign3A_10 : i32
    %sign3A_12 = arith.extui %sign3A_11 : i1 to i32
    %sign3A_13 = arith.subi %sign3A_9, %sign3A_12 : i32
    %ne3A = arith.cmpi ne, %sign3A_6, %sign3A_13 : i32
    %rem3A = arith.remsi %add3A, %jit3A : i32
    %ne3A_14 = arith.constant 0 : i32
    %ne3A_15 = arith.cmpi ne, %rem3A, %ne3A_14 : i32
    %and3A = arith.andi %ne3A, %ne3A_15 : i1
    %sub3A = arith.constant 1 : i32
    %sub3A_16 = arith.subi %div3A, %sub3A : i32
    %select_n3A = arith.select %and3A, %sub3A_16, %div3A : i32
    %mul3A_17 = arith.constant 64 : i32
    %mul3A_18 = arith.muli %add3A, %mul3A_17 : i32
    %mul3A_19 = arith.constant 1024 : i32
    %mul3A_20 = arith.muli %select_n3A, %mul3A_19 : i32
    %sub3A_21 = arith.subi %mul3A_18, %mul3A_20 : i32
    %mul3A_22 = arith.constant 2048 : i32
    %mul3A_23 = arith.muli %select_n3A, %mul3A_22 : i32
    %add3A_24 = arith.addi %mul3A_23, %sub3A_21 : i32
    %mul3A_25 = arith.constant 2048 : i32
    %mul3A_26 = arith.muli %select_n3A, %mul3A_25 : i32
    %add3A_27 = arith.constant 1024 : i32
    %add3A_28 = arith.addi %mul3A_26, %add3A_27 : i32
    %add3A_29 = arith.addi %add3A_28, %sub3A_21 : i32
    "tpu.region"() ({
      %run_scoped3A = tpu.sem_alloc : memref<!tpu.dma_semaphore, #tpu.memory_space<semaphore_mem>>
      %dma_start3A_36 = tpu.memref_slice %arg3[%add3A_24] : memref<4096xi32, #tpu.memory_space<hbm>> -> memref<64xi32, #tpu.memory_space<hbm>>
      %dma_start3A_37 = tpu.memref_slice %arg3[%add3A_24] : memref<4096xi32, #tpu.memory_space<hbm>> -> memref<64xi32, #tpu.memory_space<hbm>>
      tpu.enqueue_dma source(%dma_start3A_37 : memref<64xi32, #tpu.memory_space<hbm>>) target(%arg6 : memref<64xi32, #tpu.memory_space<vmem>>) target_semaphore(%run_scoped3A : memref<!tpu.dma_semaphore, #tpu.memory_space<semaphore_mem>>)
      %dma_wait3A_38 = tpu.memref_slice %arg3[%add3A_24] : memref<4096xi32, #tpu.memory_space<hbm>> -> memref<64xi32, #tpu.memory_space<hbm>>
      %dma_wait3A_39 = tpu.memref_slice %arg3[%add3A_24] : memref<4096xi32, #tpu.memory_space<hbm>> -> memref<64xi32, #tpu.memory_space<hbm>>
      tpu.wait_dma2 semaphore(%run_scoped3A : memref<!tpu.dma_semaphore, #tpu.memory_space<semaphore_mem>>) src(%dma_wait3A_39 : memref<64xi32, #tpu.memory_space<hbm>>) dst(%arg6 : memref<64xi32, #tpu.memory_space<vmem>>)
      tpu.yield
    }) : () -> ()
    %mul3A_30 = arith.constant 64 : i32
    %mul3A_31 = arith.muli %add3A, %mul3A_30 : i32
    "tpu.region"() ({
      %run_scoped3A = tpu.sem_alloc : memref<!tpu.dma_semaphore, #tpu.memory_space<semaphore_mem>>
      %dma_start3A_36 = arith.constant 0 : i32
      %dma_start3A_37 = tpu.memref_slice %arg2[%mul3A_31, %dma_start3A_36] : memref<2048x1024xf32, #tpu.memory_space<hbm>> -> memref<64x1024xf32, #tpu.memory_space<hbm>>
      %dma_start3A_38 = arith.constant 0 : i32
      %dma_start3A_39 = tpu.memref_slice %arg2[%mul3A_31, %dma_start3A_38] : memref<2048x1024xf32, #tpu.memory_space<hbm>> -> memref<64x1024xf32, #tpu.memory_space<hbm>>
      tpu.enqueue_dma source(%dma_start3A_39 : memref<64x1024xf32, #tpu.memory_space<hbm>>) target(%arg7 : memref<64x1024xf32, #tpu.memory_space<vmem>>) target_semaphore(%run_scoped3A : memref<!tpu.dma_semaphore, #tpu.memory_space<semaphore_mem>>)
      %dma_wait3A_40 = arith.constant 0 : i32
      %dma_wait3A_41 = tpu.memref_slice %arg2[%mul3A_31, %dma_wait3A_40] : memref<2048x1024xf32, #tpu.memory_space<hbm>> -> memref<64x1024xf32, #tpu.memory_space<hbm>>
      %dma_wait3A_42 = arith.constant 0 : i32
      %dma_wait3A_43 = tpu.memref_slice %arg2[%mul3A_31, %dma_wait3A_42] : memref<2048x1024xf32, #tpu.memory_space<hbm>> -> memref<64x1024xf32, #tpu.memory_space<hbm>>
      tpu.wait_dma2 semaphore(%run_scoped3A : memref<!tpu.dma_semaphore, #tpu.memory_space<semaphore_mem>>) src(%dma_wait3A_43 : memref<64x1024xf32, #tpu.memory_space<hbm>>) dst(%arg7 : memref<64x1024xf32, #tpu.memory_space<vmem>>)
      tpu.yield
    }) : () -> ()
    %dma_start3A = arith.constant 0 : i32
    %dma_start3A_32 = arith.constant 0 : i32
    %dma_start3A_33 = tpu.memref_slice %arg4[%dma_start3A, %dma_start3A_32] : memref<4096x1024xf32, #tpu.memory_space<hbm>> -> memref<4096x1024xf32, #tpu.memory_space<hbm>>
    tpu.enqueue_indirect_dma source(%arg7 : memref<64x1024xf32, #tpu.memory_space<vmem>>) target(%dma_start3A_33 : memref<4096x1024xf32, #tpu.memory_space<hbm>>) offsets(%arg6 : memref<64xi32, #tpu.memory_space<vmem>>) semaphore(%arg8 : memref<!tpu.dma_semaphore, #tpu.memory_space<semaphore_mem>>)
    %dma_wait3A = arith.constant 0 : i32
    %dma_wait3A_34 = arith.constant 0 : i32
    %dma_wait3A_35 = tpu.memref_slice %arg4[%dma_wait3A, %dma_wait3A_34] : memref<4096x1024xf32, #tpu.memory_space<hbm>> -> memref<4096x1024xf32, #tpu.memory_space<hbm>>
    tpu.wait_indirect_dma semaphore(%arg8 : memref<!tpu.dma_semaphore, #tpu.memory_space<semaphore_mem>>) src(%arg7 : memref<64x1024xf32, #tpu.memory_space<vmem>>) dst(%dma_wait3A_35 : memref<4096x1024xf32, #tpu.memory_space<hbm>>)
    return
  }
}

module attributes {stable_mosaic.version = 14 : i64} {
  func.func @_router_body(%arg0: i32, %arg1: memref<1x2048x1024xf32, #tpu.memory_space<vmem>>, %arg2: memref<1024x1xf32, #tpu.memory_space<vmem>>, %arg3: memref<1x1x2048xi32, #tpu.memory_space<vmem>>) attributes {dimension_semantics = [#tpu.dimension_semantics<arbitrary>], iteration_bounds = array<i64: 2>, scalar_prefetch = 0 : i64, scratch_operands = 0 : i64, tpu.core_type = #tpu.core_type<tc>, window_params = [{transform_indices = @transform_0, window_bounds = array<i64: 1, 2048, 1024>}, {pipeline_mode = #tpu.pipeline_mode<synchronous>, transform_indices = @transform_1, window_bounds = array<i64: 1024, 1>}, {transform_indices = @transform_2, window_bounds = array<i64: 1, 1, 2048>}]} {
    %get3A = arith.constant 0 : index
    %get3A_0 = arith.constant 0 : index
    %get3A_1 = arith.constant 0 : index
    %get3A_2 = vector.load %arg1[%get3A, %get3A_0, %get3A_1] : memref<1x2048x1024xf32, #tpu.memory_space<vmem>>, vector<1x2048x1024xf32>
    %get3A_3 = vector.shape_cast %get3A_2 : vector<1x2048x1024xf32> to vector<2048x1024xf32>
    %get3A_4 = arith.constant 0 : index
    %get3A_5 = arith.constant 0 : index
    %get3A_6 = vector.load %arg2[%get3A_4, %get3A_5] : memref<1024x1xf32, #tpu.memory_space<vmem>>, vector<1024x1xf32>
    %convert_element_type3A = arith.truncf %get3A_3 : vector<2048x1024xf32> to vector<2048x1024xbf16>
    %convert_element_type3A_7 = arith.truncf %get3A_6 : vector<1024x1xf32> to vector<1024x1xbf16>
    %dot_general3A = arith.constant dense<0.000000e+00> : vector<2048x1xf32>
    %dot_general3A_8 = tpu.matmul %convert_element_type3A, %convert_element_type3A_7, %dot_general3A {dimension_numbers = #tpu.dot_dimension_numbers<[1], [0], [0], [1], [0, 0, 1, 1], [], []>, transpose_lhs_hint = false} : vector<2048x1024xbf16>, vector<1024x1xbf16>, vector<2048x1xf32> -> vector<2048x1xf32>
    %iota3A = tpu.iota {dimensions = array<i32: 0>} : vector<2048x256xi32>
    %iota3A_9 = tpu.iota {dimensions = array<i32: 1>} : vector<2048x256xi32>
    %add3A = arith.constant 0 : i32
    %add3A_10 = vector.broadcast %add3A : i32 to vector<2048x256xi32>
    %add3A_11 = arith.addi %iota3A_9, %add3A_10 : vector<2048x256xi32>
    %eq3A = arith.cmpi eq, %iota3A, %add3A_11 : vector<2048x256xi32>
    %jit3A = arith.constant 0xFF800000 : f32
    %broadcast_in_dim3A = vector.shape_cast %dot_general3A_8 : vector<2048x1xf32> to vector<2048x1xf32>
    %broadcast_in_dim3A_12 = vector.broadcast %broadcast_in_dim3A : vector<2048x1xf32> to vector<2048x256xf32>
    %broadcast_in_dim3A_13 = vector.broadcast %jit3A : f32 to vector<2048x256xf32>
    %select_n3A = arith.select %eq3A, %broadcast_in_dim3A_12, %broadcast_in_dim3A_13 : vector<2048x256xi1>, vector<2048x256xf32>
    %reduce_max3A = arith.constant dense<0xFF800000> : vector<256xf32>
    %reduce_max3A_14 = vector.multi_reduction <maximumf>, %select_n3A, %reduce_max3A [0] : vector<2048x256xf32> to vector<256xf32>
    %broadcast_in_dim3A_15 = vector.shape_cast %reduce_max3A_14 : vector<256xf32> to vector<1x256xf32>
    %iota3A_16 = tpu.iota {dimensions = array<i32: 0>} : vector<2048x256xi32>
    %iota3A_17 = tpu.iota {dimensions = array<i32: 1>} : vector<2048x256xi32>
    %add3A_18 = arith.constant 256 : i32
    %add3A_19 = vector.broadcast %add3A_18 : i32 to vector<2048x256xi32>
    %add3A_20 = arith.addi %iota3A_17, %add3A_19 : vector<2048x256xi32>
    %eq3A_21 = arith.cmpi eq, %iota3A_16, %add3A_20 : vector<2048x256xi32>
    %jit3A_22 = arith.constant 0xFF800000 : f32
    %broadcast_in_dim3A_23 = vector.shape_cast %dot_general3A_8 : vector<2048x1xf32> to vector<2048x1xf32>
    %broadcast_in_dim3A_24 = vector.broadcast %broadcast_in_dim3A_23 : vector<2048x1xf32> to vector<2048x256xf32>
    %broadcast_in_dim3A_25 = vector.broadcast %jit3A_22 : f32 to vector<2048x256xf32>
    %select_n3A_26 = arith.select %eq3A_21, %broadcast_in_dim3A_24, %broadcast_in_dim3A_25 : vector<2048x256xi1>, vector<2048x256xf32>
    %reduce_max3A_27 = arith.constant dense<0xFF800000> : vector<256xf32>
    %reduce_max3A_28 = vector.multi_reduction <maximumf>, %select_n3A_26, %reduce_max3A_27 [0] : vector<2048x256xf32> to vector<256xf32>
    %broadcast_in_dim3A_29 = vector.shape_cast %reduce_max3A_28 : vector<256xf32> to vector<1x256xf32>
    %iota3A_30 = tpu.iota {dimensions = array<i32: 0>} : vector<2048x256xi32>
    %iota3A_31 = tpu.iota {dimensions = array<i32: 1>} : vector<2048x256xi32>
    %add3A_32 = arith.constant 512 : i32
    %add3A_33 = vector.broadcast %add3A_32 : i32 to vector<2048x256xi32>
    %add3A_34 = arith.addi %iota3A_31, %add3A_33 : vector<2048x256xi32>
    %eq3A_35 = arith.cmpi eq, %iota3A_30, %add3A_34 : vector<2048x256xi32>
    %jit3A_36 = arith.constant 0xFF800000 : f32
    %broadcast_in_dim3A_37 = vector.shape_cast %dot_general3A_8 : vector<2048x1xf32> to vector<2048x1xf32>
    %broadcast_in_dim3A_38 = vector.broadcast %broadcast_in_dim3A_37 : vector<2048x1xf32> to vector<2048x256xf32>
    %broadcast_in_dim3A_39 = vector.broadcast %jit3A_36 : f32 to vector<2048x256xf32>
    %select_n3A_40 = arith.select %eq3A_35, %broadcast_in_dim3A_38, %broadcast_in_dim3A_39 : vector<2048x256xi1>, vector<2048x256xf32>
    %reduce_max3A_41 = arith.constant dense<0xFF800000> : vector<256xf32>
    %reduce_max3A_42 = vector.multi_reduction <maximumf>, %select_n3A_40, %reduce_max3A_41 [0] : vector<2048x256xf32> to vector<256xf32>
    %broadcast_in_dim3A_43 = vector.shape_cast %reduce_max3A_42 : vector<256xf32> to vector<1x256xf32>
    %iota3A_44 = tpu.iota {dimensions = array<i32: 0>} : vector<2048x256xi32>
    %iota3A_45 = tpu.iota {dimensions = array<i32: 1>} : vector<2048x256xi32>
    %add3A_46 = arith.constant 768 : i32
    %add3A_47 = vector.broadcast %add3A_46 : i32 to vector<2048x256xi32>
    %add3A_48 = arith.addi %iota3A_45, %add3A_47 : vector<2048x256xi32>
    %eq3A_49 = arith.cmpi eq, %iota3A_44, %add3A_48 : vector<2048x256xi32>
    %jit3A_50 = arith.constant 0xFF800000 : f32
    %broadcast_in_dim3A_51 = vector.shape_cast %dot_general3A_8 : vector<2048x1xf32> to vector<2048x1xf32>
    %broadcast_in_dim3A_52 = vector.broadcast %broadcast_in_dim3A_51 : vector<2048x1xf32> to vector<2048x256xf32>
    %broadcast_in_dim3A_53 = vector.broadcast %jit3A_50 : f32 to vector<2048x256xf32>
    %select_n3A_54 = arith.select %eq3A_49, %broadcast_in_dim3A_52, %broadcast_in_dim3A_53 : vector<2048x256xi1>, vector<2048x256xf32>
    %reduce_max3A_55 = arith.constant dense<0xFF800000> : vector<256xf32>
    %reduce_max3A_56 = vector.multi_reduction <maximumf>, %select_n3A_54, %reduce_max3A_55 [0] : vector<2048x256xf32> to vector<256xf32>
    %broadcast_in_dim3A_57 = vector.shape_cast %reduce_max3A_56 : vector<256xf32> to vector<1x256xf32>
    %iota3A_58 = tpu.iota {dimensions = array<i32: 0>} : vector<2048x256xi32>
    %iota3A_59 = tpu.iota {dimensions = array<i32: 1>} : vector<2048x256xi32>
    %add3A_60 = arith.constant 1024 : i32
    %add3A_61 = vector.broadcast %add3A_60 : i32 to vector<2048x256xi32>
    %add3A_62 = arith.addi %iota3A_59, %add3A_61 : vector<2048x256xi32>
    %eq3A_63 = arith.cmpi eq, %iota3A_58, %add3A_62 : vector<2048x256xi32>
    %jit3A_64 = arith.constant 0xFF800000 : f32
    %broadcast_in_dim3A_65 = vector.shape_cast %dot_general3A_8 : vector<2048x1xf32> to vector<2048x1xf32>
    %broadcast_in_dim3A_66 = vector.broadcast %broadcast_in_dim3A_65 : vector<2048x1xf32> to vector<2048x256xf32>
    %broadcast_in_dim3A_67 = vector.broadcast %jit3A_64 : f32 to vector<2048x256xf32>
    %select_n3A_68 = arith.select %eq3A_63, %broadcast_in_dim3A_66, %broadcast_in_dim3A_67 : vector<2048x256xi1>, vector<2048x256xf32>
    %reduce_max3A_69 = arith.constant dense<0xFF800000> : vector<256xf32>
    %reduce_max3A_70 = vector.multi_reduction <maximumf>, %select_n3A_68, %reduce_max3A_69 [0] : vector<2048x256xf32> to vector<256xf32>
    %broadcast_in_dim3A_71 = vector.shape_cast %reduce_max3A_70 : vector<256xf32> to vector<1x256xf32>
    %iota3A_72 = tpu.iota {dimensions = array<i32: 0>} : vector<2048x256xi32>
    %iota3A_73 = tpu.iota {dimensions = array<i32: 1>} : vector<2048x256xi32>
    %add3A_74 = arith.constant 1280 : i32
    %add3A_75 = vector.broadcast %add3A_74 : i32 to vector<2048x256xi32>
    %add3A_76 = arith.addi %iota3A_73, %add3A_75 : vector<2048x256xi32>
    %eq3A_77 = arith.cmpi eq, %iota3A_72, %add3A_76 : vector<2048x256xi32>
    %jit3A_78 = arith.constant 0xFF800000 : f32
    %broadcast_in_dim3A_79 = vector.shape_cast %dot_general3A_8 : vector<2048x1xf32> to vector<2048x1xf32>
    %broadcast_in_dim3A_80 = vector.broadcast %broadcast_in_dim3A_79 : vector<2048x1xf32> to vector<2048x256xf32>
    %broadcast_in_dim3A_81 = vector.broadcast %jit3A_78 : f32 to vector<2048x256xf32>
    %select_n3A_82 = arith.select %eq3A_77, %broadcast_in_dim3A_80, %broadcast_in_dim3A_81 : vector<2048x256xi1>, vector<2048x256xf32>
    %reduce_max3A_83 = arith.constant dense<0xFF800000> : vector<256xf32>
    %reduce_max3A_84 = vector.multi_reduction <maximumf>, %select_n3A_82, %reduce_max3A_83 [0] : vector<2048x256xf32> to vector<256xf32>
    %broadcast_in_dim3A_85 = vector.shape_cast %reduce_max3A_84 : vector<256xf32> to vector<1x256xf32>
    %iota3A_86 = tpu.iota {dimensions = array<i32: 0>} : vector<2048x256xi32>
    %iota3A_87 = tpu.iota {dimensions = array<i32: 1>} : vector<2048x256xi32>
    %add3A_88 = arith.constant 1536 : i32
    %add3A_89 = vector.broadcast %add3A_88 : i32 to vector<2048x256xi32>
    %add3A_90 = arith.addi %iota3A_87, %add3A_89 : vector<2048x256xi32>
    %eq3A_91 = arith.cmpi eq, %iota3A_86, %add3A_90 : vector<2048x256xi32>
    %jit3A_92 = arith.constant 0xFF800000 : f32
    %broadcast_in_dim3A_93 = vector.shape_cast %dot_general3A_8 : vector<2048x1xf32> to vector<2048x1xf32>
    %broadcast_in_dim3A_94 = vector.broadcast %broadcast_in_dim3A_93 : vector<2048x1xf32> to vector<2048x256xf32>
    %broadcast_in_dim3A_95 = vector.broadcast %jit3A_92 : f32 to vector<2048x256xf32>
    %select_n3A_96 = arith.select %eq3A_91, %broadcast_in_dim3A_94, %broadcast_in_dim3A_95 : vector<2048x256xi1>, vector<2048x256xf32>
    %reduce_max3A_97 = arith.constant dense<0xFF800000> : vector<256xf32>
    %reduce_max3A_98 = vector.multi_reduction <maximumf>, %select_n3A_96, %reduce_max3A_97 [0] : vector<2048x256xf32> to vector<256xf32>
    %broadcast_in_dim3A_99 = vector.shape_cast %reduce_max3A_98 : vector<256xf32> to vector<1x256xf32>
    %iota3A_100 = tpu.iota {dimensions = array<i32: 0>} : vector<2048x256xi32>
    %iota3A_101 = tpu.iota {dimensions = array<i32: 1>} : vector<2048x256xi32>
    %add3A_102 = arith.constant 1792 : i32
    %add3A_103 = vector.broadcast %add3A_102 : i32 to vector<2048x256xi32>
    %add3A_104 = arith.addi %iota3A_101, %add3A_103 : vector<2048x256xi32>
    %eq3A_105 = arith.cmpi eq, %iota3A_100, %add3A_104 : vector<2048x256xi32>
    %jit3A_106 = arith.constant 0xFF800000 : f32
    %broadcast_in_dim3A_107 = vector.shape_cast %dot_general3A_8 : vector<2048x1xf32> to vector<2048x1xf32>
    %broadcast_in_dim3A_108 = vector.broadcast %broadcast_in_dim3A_107 : vector<2048x1xf32> to vector<2048x256xf32>
    %broadcast_in_dim3A_109 = vector.broadcast %jit3A_106 : f32 to vector<2048x256xf32>
    %select_n3A_110 = arith.select %eq3A_105, %broadcast_in_dim3A_108, %broadcast_in_dim3A_109 : vector<2048x256xi1>, vector<2048x256xf32>
    %reduce_max3A_111 = arith.constant dense<0xFF800000> : vector<256xf32>
    %reduce_max3A_112 = vector.multi_reduction <maximumf>, %select_n3A_110, %reduce_max3A_111 [0] : vector<2048x256xf32> to vector<256xf32>
    %broadcast_in_dim3A_113 = vector.shape_cast %reduce_max3A_112 : vector<256xf32> to vector<1x256xf32>
    %concatenate3A = tpu.concatenate %broadcast_in_dim3A_15, %broadcast_in_dim3A_29, %broadcast_in_dim3A_43, %broadcast_in_dim3A_57, %broadcast_in_dim3A_71, %broadcast_in_dim3A_85, %broadcast_in_dim3A_99, %broadcast_in_dim3A_113 in 1 : vector<1x256xf32>, vector<1x256xf32>, vector<1x256xf32>, vector<1x256xf32>, vector<1x256xf32>, vector<1x256xf32>, vector<1x256xf32>, vector<1x256xf32> -> vector<1x2048xf32>
    %slice3A = vector.extract_strided_slice %dot_general3A_8 {offsets = [0, 0], sizes = [256, 1], strides = [1, 1]} : vector<2048x1xf32> to vector<256x1xf32>
    %iota3A_114 = tpu.iota {dimensions = array<i32: 0>} : vector<256x1xi32>
    %add3A_115 = arith.constant 0 : i32
    %add3A_116 = vector.broadcast %add3A_115 : i32 to vector<256x1xi32>
    %add3A_117 = arith.addi %iota3A_114, %add3A_116 : vector<256x1xi32>
    %iota3A_118 = tpu.iota {dimensions = array<i32: 1>} : vector<256x2048xi32>
    %gt3A = vector.broadcast %concatenate3A : vector<1x2048xf32> to vector<256x2048xf32>
    %gt3A_119 = vector.broadcast %slice3A : vector<256x1xf32> to vector<256x2048xf32>
    %gt3A_120 = arith.cmpf ogt, %gt3A, %gt3A_119 : vector<256x2048xf32>
    %eq3A_121 = vector.broadcast %concatenate3A : vector<1x2048xf32> to vector<256x2048xf32>
    %eq3A_122 = vector.broadcast %slice3A : vector<256x1xf32> to vector<256x2048xf32>
    %eq3A_123 = arith.cmpf oeq, %eq3A_121, %eq3A_122 : vector<256x2048xf32>
    %lt3A = vector.broadcast %add3A_117 : vector<256x1xi32> to vector<256x2048xi32>
    %lt3A_124 = arith.cmpi slt, %iota3A_118, %lt3A : vector<256x2048xi32>
    %and3A = arith.andi %eq3A_123, %lt3A_124 : vector<256x2048xi1>
    %or3A = arith.ori %gt3A_120, %and3A : vector<256x2048xi1>
    %convert_element_type3A_125 = arith.extui %or3A : vector<256x2048xi1> to vector<256x2048xi32>
    %convert_element_type3A_126 = arith.sitofp %convert_element_type3A_125 : vector<256x2048xi32> to vector<256x2048xf32>
    %reduce_sum3A = arith.constant dense<0.000000e+00> : vector<256xf32>
    %reduce_sum3A_127 = vector.multi_reduction <add>, %convert_element_type3A_126, %reduce_sum3A [1] : vector<256x2048xf32> to vector<256xf32>
    %broadcast_in_dim3A_128 = vector.shape_cast %reduce_sum3A_127 : vector<256xf32> to vector<256x1xf32>
    %slice3A_129 = vector.extract_strided_slice %dot_general3A_8 {offsets = [256, 0], sizes = [256, 1], strides = [1, 1]} : vector<2048x1xf32> to vector<256x1xf32>
    %iota3A_130 = tpu.iota {dimensions = array<i32: 0>} : vector<256x1xi32>
    %add3A_131 = arith.constant 256 : i32
    %add3A_132 = vector.broadcast %add3A_131 : i32 to vector<256x1xi32>
    %add3A_133 = arith.addi %iota3A_130, %add3A_132 : vector<256x1xi32>
    %iota3A_134 = tpu.iota {dimensions = array<i32: 1>} : vector<256x2048xi32>
    %gt3A_135 = vector.broadcast %concatenate3A : vector<1x2048xf32> to vector<256x2048xf32>
    %gt3A_136 = vector.broadcast %slice3A_129 : vector<256x1xf32> to vector<256x2048xf32>
    %gt3A_137 = arith.cmpf ogt, %gt3A_135, %gt3A_136 : vector<256x2048xf32>
    %eq3A_138 = vector.broadcast %concatenate3A : vector<1x2048xf32> to vector<256x2048xf32>
    %eq3A_139 = vector.broadcast %slice3A_129 : vector<256x1xf32> to vector<256x2048xf32>
    %eq3A_140 = arith.cmpf oeq, %eq3A_138, %eq3A_139 : vector<256x2048xf32>
    %lt3A_141 = vector.broadcast %add3A_133 : vector<256x1xi32> to vector<256x2048xi32>
    %lt3A_142 = arith.cmpi slt, %iota3A_134, %lt3A_141 : vector<256x2048xi32>
    %and3A_143 = arith.andi %eq3A_140, %lt3A_142 : vector<256x2048xi1>
    %or3A_144 = arith.ori %gt3A_137, %and3A_143 : vector<256x2048xi1>
    %convert_element_type3A_145 = arith.extui %or3A_144 : vector<256x2048xi1> to vector<256x2048xi32>
    %convert_element_type3A_146 = arith.sitofp %convert_element_type3A_145 : vector<256x2048xi32> to vector<256x2048xf32>
    %reduce_sum3A_147 = arith.constant dense<0.000000e+00> : vector<256xf32>
    %reduce_sum3A_148 = vector.multi_reduction <add>, %convert_element_type3A_146, %reduce_sum3A_147 [1] : vector<256x2048xf32> to vector<256xf32>
    %broadcast_in_dim3A_149 = vector.shape_cast %reduce_sum3A_148 : vector<256xf32> to vector<256x1xf32>
    %slice3A_150 = vector.extract_strided_slice %dot_general3A_8 {offsets = [512, 0], sizes = [256, 1], strides = [1, 1]} : vector<2048x1xf32> to vector<256x1xf32>
    %iota3A_151 = tpu.iota {dimensions = array<i32: 0>} : vector<256x1xi32>
    %add3A_152 = arith.constant 512 : i32
    %add3A_153 = vector.broadcast %add3A_152 : i32 to vector<256x1xi32>
    %add3A_154 = arith.addi %iota3A_151, %add3A_153 : vector<256x1xi32>
    %iota3A_155 = tpu.iota {dimensions = array<i32: 1>} : vector<256x2048xi32>
    %gt3A_156 = vector.broadcast %concatenate3A : vector<1x2048xf32> to vector<256x2048xf32>
    %gt3A_157 = vector.broadcast %slice3A_150 : vector<256x1xf32> to vector<256x2048xf32>
    %gt3A_158 = arith.cmpf ogt, %gt3A_156, %gt3A_157 : vector<256x2048xf32>
    %eq3A_159 = vector.broadcast %concatenate3A : vector<1x2048xf32> to vector<256x2048xf32>
    %eq3A_160 = vector.broadcast %slice3A_150 : vector<256x1xf32> to vector<256x2048xf32>
    %eq3A_161 = arith.cmpf oeq, %eq3A_159, %eq3A_160 : vector<256x2048xf32>
    %lt3A_162 = vector.broadcast %add3A_154 : vector<256x1xi32> to vector<256x2048xi32>
    %lt3A_163 = arith.cmpi slt, %iota3A_155, %lt3A_162 : vector<256x2048xi32>
    %and3A_164 = arith.andi %eq3A_161, %lt3A_163 : vector<256x2048xi1>
    %or3A_165 = arith.ori %gt3A_158, %and3A_164 : vector<256x2048xi1>
    %convert_element_type3A_166 = arith.extui %or3A_165 : vector<256x2048xi1> to vector<256x2048xi32>
    %convert_element_type3A_167 = arith.sitofp %convert_element_type3A_166 : vector<256x2048xi32> to vector<256x2048xf32>
    %reduce_sum3A_168 = arith.constant dense<0.000000e+00> : vector<256xf32>
    %reduce_sum3A_169 = vector.multi_reduction <add>, %convert_element_type3A_167, %reduce_sum3A_168 [1] : vector<256x2048xf32> to vector<256xf32>
    %broadcast_in_dim3A_170 = vector.shape_cast %reduce_sum3A_169 : vector<256xf32> to vector<256x1xf32>
    %slice3A_171 = vector.extract_strided_slice %dot_general3A_8 {offsets = [768, 0], sizes = [256, 1], strides = [1, 1]} : vector<2048x1xf32> to vector<256x1xf32>
    %iota3A_172 = tpu.iota {dimensions = array<i32: 0>} : vector<256x1xi32>
    %add3A_173 = arith.constant 768 : i32
    %add3A_174 = vector.broadcast %add3A_173 : i32 to vector<256x1xi32>
    %add3A_175 = arith.addi %iota3A_172, %add3A_174 : vector<256x1xi32>
    %iota3A_176 = tpu.iota {dimensions = array<i32: 1>} : vector<256x2048xi32>
    %gt3A_177 = vector.broadcast %concatenate3A : vector<1x2048xf32> to vector<256x2048xf32>
    %gt3A_178 = vector.broadcast %slice3A_171 : vector<256x1xf32> to vector<256x2048xf32>
    %gt3A_179 = arith.cmpf ogt, %gt3A_177, %gt3A_178 : vector<256x2048xf32>
    %eq3A_180 = vector.broadcast %concatenate3A : vector<1x2048xf32> to vector<256x2048xf32>
    %eq3A_181 = vector.broadcast %slice3A_171 : vector<256x1xf32> to vector<256x2048xf32>
    %eq3A_182 = arith.cmpf oeq, %eq3A_180, %eq3A_181 : vector<256x2048xf32>
    %lt3A_183 = vector.broadcast %add3A_175 : vector<256x1xi32> to vector<256x2048xi32>
    %lt3A_184 = arith.cmpi slt, %iota3A_176, %lt3A_183 : vector<256x2048xi32>
    %and3A_185 = arith.andi %eq3A_182, %lt3A_184 : vector<256x2048xi1>
    %or3A_186 = arith.ori %gt3A_179, %and3A_185 : vector<256x2048xi1>
    %convert_element_type3A_187 = arith.extui %or3A_186 : vector<256x2048xi1> to vector<256x2048xi32>
    %convert_element_type3A_188 = arith.sitofp %convert_element_type3A_187 : vector<256x2048xi32> to vector<256x2048xf32>
    %reduce_sum3A_189 = arith.constant dense<0.000000e+00> : vector<256xf32>
    %reduce_sum3A_190 = vector.multi_reduction <add>, %convert_element_type3A_188, %reduce_sum3A_189 [1] : vector<256x2048xf32> to vector<256xf32>
    %broadcast_in_dim3A_191 = vector.shape_cast %reduce_sum3A_190 : vector<256xf32> to vector<256x1xf32>
    %slice3A_192 = vector.extract_strided_slice %dot_general3A_8 {offsets = [1024, 0], sizes = [256, 1], strides = [1, 1]} : vector<2048x1xf32> to vector<256x1xf32>
    %iota3A_193 = tpu.iota {dimensions = array<i32: 0>} : vector<256x1xi32>
    %add3A_194 = arith.constant 1024 : i32
    %add3A_195 = vector.broadcast %add3A_194 : i32 to vector<256x1xi32>
    %add3A_196 = arith.addi %iota3A_193, %add3A_195 : vector<256x1xi32>
    %iota3A_197 = tpu.iota {dimensions = array<i32: 1>} : vector<256x2048xi32>
    %gt3A_198 = vector.broadcast %concatenate3A : vector<1x2048xf32> to vector<256x2048xf32>
    %gt3A_199 = vector.broadcast %slice3A_192 : vector<256x1xf32> to vector<256x2048xf32>
    %gt3A_200 = arith.cmpf ogt, %gt3A_198, %gt3A_199 : vector<256x2048xf32>
    %eq3A_201 = vector.broadcast %concatenate3A : vector<1x2048xf32> to vector<256x2048xf32>
    %eq3A_202 = vector.broadcast %slice3A_192 : vector<256x1xf32> to vector<256x2048xf32>
    %eq3A_203 = arith.cmpf oeq, %eq3A_201, %eq3A_202 : vector<256x2048xf32>
    %lt3A_204 = vector.broadcast %add3A_196 : vector<256x1xi32> to vector<256x2048xi32>
    %lt3A_205 = arith.cmpi slt, %iota3A_197, %lt3A_204 : vector<256x2048xi32>
    %and3A_206 = arith.andi %eq3A_203, %lt3A_205 : vector<256x2048xi1>
    %or3A_207 = arith.ori %gt3A_200, %and3A_206 : vector<256x2048xi1>
    %convert_element_type3A_208 = arith.extui %or3A_207 : vector<256x2048xi1> to vector<256x2048xi32>
    %convert_element_type3A_209 = arith.sitofp %convert_element_type3A_208 : vector<256x2048xi32> to vector<256x2048xf32>
    %reduce_sum3A_210 = arith.constant dense<0.000000e+00> : vector<256xf32>
    %reduce_sum3A_211 = vector.multi_reduction <add>, %convert_element_type3A_209, %reduce_sum3A_210 [1] : vector<256x2048xf32> to vector<256xf32>
    %broadcast_in_dim3A_212 = vector.shape_cast %reduce_sum3A_211 : vector<256xf32> to vector<256x1xf32>
    %slice3A_213 = vector.extract_strided_slice %dot_general3A_8 {offsets = [1280, 0], sizes = [256, 1], strides = [1, 1]} : vector<2048x1xf32> to vector<256x1xf32>
    %iota3A_214 = tpu.iota {dimensions = array<i32: 0>} : vector<256x1xi32>
    %add3A_215 = arith.constant 1280 : i32
    %add3A_216 = vector.broadcast %add3A_215 : i32 to vector<256x1xi32>
    %add3A_217 = arith.addi %iota3A_214, %add3A_216 : vector<256x1xi32>
    %iota3A_218 = tpu.iota {dimensions = array<i32: 1>} : vector<256x2048xi32>
    %gt3A_219 = vector.broadcast %concatenate3A : vector<1x2048xf32> to vector<256x2048xf32>
    %gt3A_220 = vector.broadcast %slice3A_213 : vector<256x1xf32> to vector<256x2048xf32>
    %gt3A_221 = arith.cmpf ogt, %gt3A_219, %gt3A_220 : vector<256x2048xf32>
    %eq3A_222 = vector.broadcast %concatenate3A : vector<1x2048xf32> to vector<256x2048xf32>
    %eq3A_223 = vector.broadcast %slice3A_213 : vector<256x1xf32> to vector<256x2048xf32>
    %eq3A_224 = arith.cmpf oeq, %eq3A_222, %eq3A_223 : vector<256x2048xf32>
    %lt3A_225 = vector.broadcast %add3A_217 : vector<256x1xi32> to vector<256x2048xi32>
    %lt3A_226 = arith.cmpi slt, %iota3A_218, %lt3A_225 : vector<256x2048xi32>
    %and3A_227 = arith.andi %eq3A_224, %lt3A_226 : vector<256x2048xi1>
    %or3A_228 = arith.ori %gt3A_221, %and3A_227 : vector<256x2048xi1>
    %convert_element_type3A_229 = arith.extui %or3A_228 : vector<256x2048xi1> to vector<256x2048xi32>
    %convert_element_type3A_230 = arith.sitofp %convert_element_type3A_229 : vector<256x2048xi32> to vector<256x2048xf32>
    %reduce_sum3A_231 = arith.constant dense<0.000000e+00> : vector<256xf32>
    %reduce_sum3A_232 = vector.multi_reduction <add>, %convert_element_type3A_230, %reduce_sum3A_231 [1] : vector<256x2048xf32> to vector<256xf32>
    %broadcast_in_dim3A_233 = vector.shape_cast %reduce_sum3A_232 : vector<256xf32> to vector<256x1xf32>
    %slice3A_234 = vector.extract_strided_slice %dot_general3A_8 {offsets = [1536, 0], sizes = [256, 1], strides = [1, 1]} : vector<2048x1xf32> to vector<256x1xf32>
    %iota3A_235 = tpu.iota {dimensions = array<i32: 0>} : vector<256x1xi32>
    %add3A_236 = arith.constant 1536 : i32
    %add3A_237 = vector.broadcast %add3A_236 : i32 to vector<256x1xi32>
    %add3A_238 = arith.addi %iota3A_235, %add3A_237 : vector<256x1xi32>
    %iota3A_239 = tpu.iota {dimensions = array<i32: 1>} : vector<256x2048xi32>
    %gt3A_240 = vector.broadcast %concatenate3A : vector<1x2048xf32> to vector<256x2048xf32>
    %gt3A_241 = vector.broadcast %slice3A_234 : vector<256x1xf32> to vector<256x2048xf32>
    %gt3A_242 = arith.cmpf ogt, %gt3A_240, %gt3A_241 : vector<256x2048xf32>
    %eq3A_243 = vector.broadcast %concatenate3A : vector<1x2048xf32> to vector<256x2048xf32>
    %eq3A_244 = vector.broadcast %slice3A_234 : vector<256x1xf32> to vector<256x2048xf32>
    %eq3A_245 = arith.cmpf oeq, %eq3A_243, %eq3A_244 : vector<256x2048xf32>
    %lt3A_246 = vector.broadcast %add3A_238 : vector<256x1xi32> to vector<256x2048xi32>
    %lt3A_247 = arith.cmpi slt, %iota3A_239, %lt3A_246 : vector<256x2048xi32>
    %and3A_248 = arith.andi %eq3A_245, %lt3A_247 : vector<256x2048xi1>
    %or3A_249 = arith.ori %gt3A_242, %and3A_248 : vector<256x2048xi1>
    %convert_element_type3A_250 = arith.extui %or3A_249 : vector<256x2048xi1> to vector<256x2048xi32>
    %convert_element_type3A_251 = arith.sitofp %convert_element_type3A_250 : vector<256x2048xi32> to vector<256x2048xf32>
    %reduce_sum3A_252 = arith.constant dense<0.000000e+00> : vector<256xf32>
    %reduce_sum3A_253 = vector.multi_reduction <add>, %convert_element_type3A_251, %reduce_sum3A_252 [1] : vector<256x2048xf32> to vector<256xf32>
    %broadcast_in_dim3A_254 = vector.shape_cast %reduce_sum3A_253 : vector<256xf32> to vector<256x1xf32>
    %slice3A_255 = vector.extract_strided_slice %dot_general3A_8 {offsets = [1792, 0], sizes = [256, 1], strides = [1, 1]} : vector<2048x1xf32> to vector<256x1xf32>
    %iota3A_256 = tpu.iota {dimensions = array<i32: 0>} : vector<256x1xi32>
    %add3A_257 = arith.constant 1792 : i32
    %add3A_258 = vector.broadcast %add3A_257 : i32 to vector<256x1xi32>
    %add3A_259 = arith.addi %iota3A_256, %add3A_258 : vector<256x1xi32>
    %iota3A_260 = tpu.iota {dimensions = array<i32: 1>} : vector<256x2048xi32>
    %gt3A_261 = vector.broadcast %concatenate3A : vector<1x2048xf32> to vector<256x2048xf32>
    %gt3A_262 = vector.broadcast %slice3A_255 : vector<256x1xf32> to vector<256x2048xf32>
    %gt3A_263 = arith.cmpf ogt, %gt3A_261, %gt3A_262 : vector<256x2048xf32>
    %eq3A_264 = vector.broadcast %concatenate3A : vector<1x2048xf32> to vector<256x2048xf32>
    %eq3A_265 = vector.broadcast %slice3A_255 : vector<256x1xf32> to vector<256x2048xf32>
    %eq3A_266 = arith.cmpf oeq, %eq3A_264, %eq3A_265 : vector<256x2048xf32>
    %lt3A_267 = vector.broadcast %add3A_259 : vector<256x1xi32> to vector<256x2048xi32>
    %lt3A_268 = arith.cmpi slt, %iota3A_260, %lt3A_267 : vector<256x2048xi32>
    %and3A_269 = arith.andi %eq3A_266, %lt3A_268 : vector<256x2048xi1>
    %or3A_270 = arith.ori %gt3A_263, %and3A_269 : vector<256x2048xi1>
    %convert_element_type3A_271 = arith.extui %or3A_270 : vector<256x2048xi1> to vector<256x2048xi32>
    %convert_element_type3A_272 = arith.sitofp %convert_element_type3A_271 : vector<256x2048xi32> to vector<256x2048xf32>
    %reduce_sum3A_273 = arith.constant dense<0.000000e+00> : vector<256xf32>
    %reduce_sum3A_274 = vector.multi_reduction <add>, %convert_element_type3A_272, %reduce_sum3A_273 [1] : vector<256x2048xf32> to vector<256xf32>
    %broadcast_in_dim3A_275 = vector.shape_cast %reduce_sum3A_274 : vector<256xf32> to vector<256x1xf32>
    %concatenate3A_276 = tpu.concatenate %broadcast_in_dim3A_128, %broadcast_in_dim3A_149, %broadcast_in_dim3A_170, %broadcast_in_dim3A_191, %broadcast_in_dim3A_212, %broadcast_in_dim3A_233, %broadcast_in_dim3A_254, %broadcast_in_dim3A_275 in 0 : vector<256x1xf32>, vector<256x1xf32>, vector<256x1xf32>, vector<256x1xf32>, vector<256x1xf32>, vector<256x1xf32>, vector<256x1xf32>, vector<256x1xf32> -> vector<2048x1xf32>
    %convert_element_type3A_277 = arith.fptosi %concatenate3A_276 : vector<2048x1xf32> to vector<2048x1xi32>
    %mul3A = arith.constant 2048 : i32
    %mul3A_278 = arith.muli %arg0, %mul3A : i32
    %iota3A_279 = tpu.iota {dimensions = array<i32: 0>} : vector<2048x256xi32>
    %convert_element_type3A_280 = arith.sitofp %iota3A_279 : vector<2048x256xi32> to vector<2048x256xf32>
    %iota3A_281 = tpu.iota {dimensions = array<i32: 1>} : vector<2048x256xi32>
    %add3A_282 = arith.constant 0 : i32
    %add3A_283 = vector.broadcast %add3A_282 : i32 to vector<2048x256xi32>
    %add3A_284 = arith.addi %iota3A_281, %add3A_283 : vector<2048x256xi32>
    %eq3A_285 = vector.broadcast %convert_element_type3A_277 : vector<2048x1xi32> to vector<2048x256xi32>
    %eq3A_286 = arith.cmpi eq, %eq3A_285, %add3A_284 : vector<2048x256xi32>
    %jit3A_287 = arith.constant 0.000000e+00 : f32
    %broadcast_in_dim3A_288 = vector.broadcast %jit3A_287 : f32 to vector<2048x256xf32>
    %select_n3A_289 = arith.select %eq3A_286, %convert_element_type3A_280, %broadcast_in_dim3A_288 : vector<2048x256xi1>, vector<2048x256xf32>
    %reduce_sum3A_290 = arith.constant dense<0.000000e+00> : vector<256xf32>
    %reduce_sum3A_291 = vector.multi_reduction <add>, %select_n3A_289, %reduce_sum3A_290 [0] : vector<2048x256xf32> to vector<256xf32>
    %broadcast_in_dim3A_292 = vector.shape_cast %reduce_sum3A_291 : vector<256xf32> to vector<1x256xf32>
    %convert_element_type3A_293 = arith.fptosi %broadcast_in_dim3A_292 : vector<1x256xf32> to vector<1x256xi32>
    %broadcast_in_dim3A_294 = vector.shape_cast %convert_element_type3A_293 : vector<1x256xi32> to vector<1x1x256xi32>
    %add3A_295 = vector.broadcast %mul3A_278 : i32 to vector<1x1x256xi32>
    %add3A_296 = arith.addi %broadcast_in_dim3A_294, %add3A_295 : vector<1x1x256xi32>
    %swap3A = arith.constant 0 : index
    %swap3A_297 = arith.constant 0 : index
    %swap3A_298 = arith.constant 0 : index
    %swap3A_299 = vector.load %arg3[%swap3A, %swap3A_297, %swap3A_298] : memref<1x1x2048xi32, #tpu.memory_space<vmem>>, vector<1x1x256xi32>
    tpu.vector_store %arg3[%swap3A, %swap3A_297, %swap3A_298], %add3A_296 {strides = array<i32>} : memref<1x1x2048xi32, #tpu.memory_space<vmem>>, vector<1x1x256xi32>,
    %iota3A_300 = tpu.iota {dimensions = array<i32: 1>} : vector<2048x256xi32>
    %add3A_301 = arith.constant 256 : i32
    %add3A_302 = vector.broadcast %add3A_301 : i32 to vector<2048x256xi32>
    %add3A_303 = arith.addi %iota3A_300, %add3A_302 : vector<2048x256xi32>
    %eq3A_304 = vector.broadcast %convert_element_type3A_277 : vector<2048x1xi32> to vector<2048x256xi32>
    %eq3A_305 = arith.cmpi eq, %eq3A_304, %add3A_303 : vector<2048x256xi32>
    %jit3A_306 = arith.constant 0.000000e+00 : f32
    %broadcast_in_dim3A_307 = vector.broadcast %jit3A_306 : f32 to vector<2048x256xf32>
    %select_n3A_308 = arith.select %eq3A_305, %convert_element_type3A_280, %broadcast_in_dim3A_307 : vector<2048x256xi1>, vector<2048x256xf32>
    %reduce_sum3A_309 = arith.constant dense<0.000000e+00> : vector<256xf32>
    %reduce_sum3A_310 = vector.multi_reduction <add>, %select_n3A_308, %reduce_sum3A_309 [0] : vector<2048x256xf32> to vector<256xf32>
    %broadcast_in_dim3A_311 = vector.shape_cast %reduce_sum3A_310 : vector<256xf32> to vector<1x256xf32>
    %convert_element_type3A_312 = arith.fptosi %broadcast_in_dim3A_311 : vector<1x256xf32> to vector<1x256xi32>
    %broadcast_in_dim3A_313 = vector.shape_cast %convert_element_type3A_312 : vector<1x256xi32> to vector<1x1x256xi32>
    %add3A_314 = vector.broadcast %mul3A_278 : i32 to vector<1x1x256xi32>
    %add3A_315 = arith.addi %broadcast_in_dim3A_313, %add3A_314 : vector<1x1x256xi32>
    %swap3A_316 = arith.constant 0 : index
    %swap3A_317 = arith.constant 0 : index
    %swap3A_318 = arith.constant 256 : index
    %swap3A_319 = vector.load %arg3[%swap3A_316, %swap3A_317, %swap3A_318] : memref<1x1x2048xi32, #tpu.memory_space<vmem>>, vector<1x1x256xi32>
    tpu.vector_store %arg3[%swap3A_316, %swap3A_317, %swap3A_318], %add3A_315 {strides = array<i32>} : memref<1x1x2048xi32, #tpu.memory_space<vmem>>, vector<1x1x256xi32>,
    %iota3A_320 = tpu.iota {dimensions = array<i32: 1>} : vector<2048x256xi32>
    %add3A_321 = arith.constant 512 : i32
    %add3A_322 = vector.broadcast %add3A_321 : i32 to vector<2048x256xi32>
    %add3A_323 = arith.addi %iota3A_320, %add3A_322 : vector<2048x256xi32>
    %eq3A_324 = vector.broadcast %convert_element_type3A_277 : vector<2048x1xi32> to vector<2048x256xi32>
    %eq3A_325 = arith.cmpi eq, %eq3A_324, %add3A_323 : vector<2048x256xi32>
    %jit3A_326 = arith.constant 0.000000e+00 : f32
    %broadcast_in_dim3A_327 = vector.broadcast %jit3A_326 : f32 to vector<2048x256xf32>
    %select_n3A_328 = arith.select %eq3A_325, %convert_element_type3A_280, %broadcast_in_dim3A_327 : vector<2048x256xi1>, vector<2048x256xf32>
    %reduce_sum3A_329 = arith.constant dense<0.000000e+00> : vector<256xf32>
    %reduce_sum3A_330 = vector.multi_reduction <add>, %select_n3A_328, %reduce_sum3A_329 [0] : vector<2048x256xf32> to vector<256xf32>
    %broadcast_in_dim3A_331 = vector.shape_cast %reduce_sum3A_330 : vector<256xf32> to vector<1x256xf32>
    %convert_element_type3A_332 = arith.fptosi %broadcast_in_dim3A_331 : vector<1x256xf32> to vector<1x256xi32>
    %broadcast_in_dim3A_333 = vector.shape_cast %convert_element_type3A_332 : vector<1x256xi32> to vector<1x1x256xi32>
    %add3A_334 = vector.broadcast %mul3A_278 : i32 to vector<1x1x256xi32>
    %add3A_335 = arith.addi %broadcast_in_dim3A_333, %add3A_334 : vector<1x1x256xi32>
    %swap3A_336 = arith.constant 0 : index
    %swap3A_337 = arith.constant 0 : index
    %swap3A_338 = arith.constant 512 : index
    %swap3A_339 = vector.load %arg3[%swap3A_336, %swap3A_337, %swap3A_338] : memref<1x1x2048xi32, #tpu.memory_space<vmem>>, vector<1x1x256xi32>
    tpu.vector_store %arg3[%swap3A_336, %swap3A_337, %swap3A_338], %add3A_335 {strides = array<i32>} : memref<1x1x2048xi32, #tpu.memory_space<vmem>>, vector<1x1x256xi32>,
    %iota3A_340 = tpu.iota {dimensions = array<i32: 1>} : vector<2048x256xi32>
    %add3A_341 = arith.constant 768 : i32
    %add3A_342 = vector.broadcast %add3A_341 : i32 to vector<2048x256xi32>
    %add3A_343 = arith.addi %iota3A_340, %add3A_342 : vector<2048x256xi32>
    %eq3A_344 = vector.broadcast %convert_element_type3A_277 : vector<2048x1xi32> to vector<2048x256xi32>
    %eq3A_345 = arith.cmpi eq, %eq3A_344, %add3A_343 : vector<2048x256xi32>
    %jit3A_346 = arith.constant 0.000000e+00 : f32
    %broadcast_in_dim3A_347 = vector.broadcast %jit3A_346 : f32 to vector<2048x256xf32>
    %select_n3A_348 = arith.select %eq3A_345, %convert_element_type3A_280, %broadcast_in_dim3A_347 : vector<2048x256xi1>, vector<2048x256xf32>
    %reduce_sum3A_349 = arith.constant dense<0.000000e+00> : vector<256xf32>
    %reduce_sum3A_350 = vector.multi_reduction <add>, %select_n3A_348, %reduce_sum3A_349 [0] : vector<2048x256xf32> to vector<256xf32>
    %broadcast_in_dim3A_351 = vector.shape_cast %reduce_sum3A_350 : vector<256xf32> to vector<1x256xf32>
    %convert_element_type3A_352 = arith.fptosi %broadcast_in_dim3A_351 : vector<1x256xf32> to vector<1x256xi32>
    %broadcast_in_dim3A_353 = vector.shape_cast %convert_element_type3A_352 : vector<1x256xi32> to vector<1x1x256xi32>
    %add3A_354 = vector.broadcast %mul3A_278 : i32 to vector<1x1x256xi32>
    %add3A_355 = arith.addi %broadcast_in_dim3A_353, %add3A_354 : vector<1x1x256xi32>
    %swap3A_356 = arith.constant 0 : index
    %swap3A_357 = arith.constant 0 : index
    %swap3A_358 = arith.constant 768 : index
    %swap3A_359 = vector.load %arg3[%swap3A_356, %swap3A_357, %swap3A_358] : memref<1x1x2048xi32, #tpu.memory_space<vmem>>, vector<1x1x256xi32>
    tpu.vector_store %arg3[%swap3A_356, %swap3A_357, %swap3A_358], %add3A_355 {strides = array<i32>} : memref<1x1x2048xi32, #tpu.memory_space<vmem>>, vector<1x1x256xi32>,
    %iota3A_360 = tpu.iota {dimensions = array<i32: 1>} : vector<2048x256xi32>
    %add3A_361 = arith.constant 1024 : i32
    %add3A_362 = vector.broadcast %add3A_361 : i32 to vector<2048x256xi32>
    %add3A_363 = arith.addi %iota3A_360, %add3A_362 : vector<2048x256xi32>
    %eq3A_364 = vector.broadcast %convert_element_type3A_277 : vector<2048x1xi32> to vector<2048x256xi32>
    %eq3A_365 = arith.cmpi eq, %eq3A_364, %add3A_363 : vector<2048x256xi32>
    %jit3A_366 = arith.constant 0.000000e+00 : f32
    %broadcast_in_dim3A_367 = vector.broadcast %jit3A_366 : f32 to vector<2048x256xf32>
    %select_n3A_368 = arith.select %eq3A_365, %convert_element_type3A_280, %broadcast_in_dim3A_367 : vector<2048x256xi1>, vector<2048x256xf32>
    %reduce_sum3A_369 = arith.constant dense<0.000000e+00> : vector<256xf32>
    %reduce_sum3A_370 = vector.multi_reduction <add>, %select_n3A_368, %reduce_sum3A_369 [0] : vector<2048x256xf32> to vector<256xf32>
    %broadcast_in_dim3A_371 = vector.shape_cast %reduce_sum3A_370 : vector<256xf32> to vector<1x256xf32>
    %convert_element_type3A_372 = arith.fptosi %broadcast_in_dim3A_371 : vector<1x256xf32> to vector<1x256xi32>
    %broadcast_in_dim3A_373 = vector.shape_cast %convert_element_type3A_372 : vector<1x256xi32> to vector<1x1x256xi32>
    %add3A_374 = vector.broadcast %mul3A_278 : i32 to vector<1x1x256xi32>
    %add3A_375 = arith.addi %broadcast_in_dim3A_373, %add3A_374 : vector<1x1x256xi32>
    %swap3A_376 = arith.constant 0 : index
    %swap3A_377 = arith.constant 0 : index
    %swap3A_378 = arith.constant 1024 : index
    %swap3A_379 = vector.load %arg3[%swap3A_376, %swap3A_377, %swap3A_378] : memref<1x1x2048xi32, #tpu.memory_space<vmem>>, vector<1x1x256xi32>
    tpu.vector_store %arg3[%swap3A_376, %swap3A_377, %swap3A_378], %add3A_375 {strides = array<i32>} : memref<1x1x2048xi32, #tpu.memory_space<vmem>>, vector<1x1x256xi32>,
    %iota3A_380 = tpu.iota {dimensions = array<i32: 1>} : vector<2048x256xi32>
    %add3A_381 = arith.constant 1280 : i32
    %add3A_382 = vector.broadcast %add3A_381 : i32 to vector<2048x256xi32>
    %add3A_383 = arith.addi %iota3A_380, %add3A_382 : vector<2048x256xi32>
    %eq3A_384 = vector.broadcast %convert_element_type3A_277 : vector<2048x1xi32> to vector<2048x256xi32>
    %eq3A_385 = arith.cmpi eq, %eq3A_384, %add3A_383 : vector<2048x256xi32>
    %jit3A_386 = arith.constant 0.000000e+00 : f32
    %broadcast_in_dim3A_387 = vector.broadcast %jit3A_386 : f32 to vector<2048x256xf32>
    %select_n3A_388 = arith.select %eq3A_385, %convert_element_type3A_280, %broadcast_in_dim3A_387 : vector<2048x256xi1>, vector<2048x256xf32>
    %reduce_sum3A_389 = arith.constant dense<0.000000e+00> : vector<256xf32>
    %reduce_sum3A_390 = vector.multi_reduction <add>, %select_n3A_388, %reduce_sum3A_389 [0] : vector<2048x256xf32> to vector<256xf32>
    %broadcast_in_dim3A_391 = vector.shape_cast %reduce_sum3A_390 : vector<256xf32> to vector<1x256xf32>
    %convert_element_type3A_392 = arith.fptosi %broadcast_in_dim3A_391 : vector<1x256xf32> to vector<1x256xi32>
    %broadcast_in_dim3A_393 = vector.shape_cast %convert_element_type3A_392 : vector<1x256xi32> to vector<1x1x256xi32>
    %add3A_394 = vector.broadcast %mul3A_278 : i32 to vector<1x1x256xi32>
    %add3A_395 = arith.addi %broadcast_in_dim3A_393, %add3A_394 : vector<1x1x256xi32>
    %swap3A_396 = arith.constant 0 : index
    %swap3A_397 = arith.constant 0 : index
    %swap3A_398 = arith.constant 1280 : index
    %swap3A_399 = vector.load %arg3[%swap3A_396, %swap3A_397, %swap3A_398] : memref<1x1x2048xi32, #tpu.memory_space<vmem>>, vector<1x1x256xi32>
    tpu.vector_store %arg3[%swap3A_396, %swap3A_397, %swap3A_398], %add3A_395 {strides = array<i32>} : memref<1x1x2048xi32, #tpu.memory_space<vmem>>, vector<1x1x256xi32>,
    %iota3A_400 = tpu.iota {dimensions = array<i32: 1>} : vector<2048x256xi32>
    %add3A_401 = arith.constant 1536 : i32
    %add3A_402 = vector.broadcast %add3A_401 : i32 to vector<2048x256xi32>
    %add3A_403 = arith.addi %iota3A_400, %add3A_402 : vector<2048x256xi32>
    %eq3A_404 = vector.broadcast %convert_element_type3A_277 : vector<2048x1xi32> to vector<2048x256xi32>
    %eq3A_405 = arith.cmpi eq, %eq3A_404, %add3A_403 : vector<2048x256xi32>
    %jit3A_406 = arith.constant 0.000000e+00 : f32
    %broadcast_in_dim3A_407 = vector.broadcast %jit3A_406 : f32 to vector<2048x256xf32>
    %select_n3A_408 = arith.select %eq3A_405, %convert_element_type3A_280, %broadcast_in_dim3A_407 : vector<2048x256xi1>, vector<2048x256xf32>
    %reduce_sum3A_409 = arith.constant dense<0.000000e+00> : vector<256xf32>
    %reduce_sum3A_410 = vector.multi_reduction <add>, %select_n3A_408, %reduce_sum3A_409 [0] : vector<2048x256xf32> to vector<256xf32>
    %broadcast_in_dim3A_411 = vector.shape_cast %reduce_sum3A_410 : vector<256xf32> to vector<1x256xf32>
    %convert_element_type3A_412 = arith.fptosi %broadcast_in_dim3A_411 : vector<1x256xf32> to vector<1x256xi32>
    %broadcast_in_dim3A_413 = vector.shape_cast %convert_element_type3A_412 : vector<1x256xi32> to vector<1x1x256xi32>
    %add3A_414 = vector.broadcast %mul3A_278 : i32 to vector<1x1x256xi32>
    %add3A_415 = arith.addi %broadcast_in_dim3A_413, %add3A_414 : vector<1x1x256xi32>
    %swap3A_416 = arith.constant 0 : index
    %swap3A_417 = arith.constant 0 : index
    %swap3A_418 = arith.constant 1536 : index
    %swap3A_419 = vector.load %arg3[%swap3A_416, %swap3A_417, %swap3A_418] : memref<1x1x2048xi32, #tpu.memory_space<vmem>>, vector<1x1x256xi32>
    tpu.vector_store %arg3[%swap3A_416, %swap3A_417, %swap3A_418], %add3A_415 {strides = array<i32>} : memref<1x1x2048xi32, #tpu.memory_space<vmem>>, vector<1x1x256xi32>,
    %iota3A_420 = tpu.iota {dimensions = array<i32: 1>} : vector<2048x256xi32>
    %add3A_421 = arith.constant 1792 : i32
    %add3A_422 = vector.broadcast %add3A_421 : i32 to vector<2048x256xi32>
    %add3A_423 = arith.addi %iota3A_420, %add3A_422 : vector<2048x256xi32>
    %eq3A_424 = vector.broadcast %convert_element_type3A_277 : vector<2048x1xi32> to vector<2048x256xi32>
    %eq3A_425 = arith.cmpi eq, %eq3A_424, %add3A_423 : vector<2048x256xi32>
    %jit3A_426 = arith.constant 0.000000e+00 : f32
    %broadcast_in_dim3A_427 = vector.broadcast %jit3A_426 : f32 to vector<2048x256xf32>
    %select_n3A_428 = arith.select %eq3A_425, %convert_element_type3A_280, %broadcast_in_dim3A_427 : vector<2048x256xi1>, vector<2048x256xf32>
    %reduce_sum3A_429 = arith.constant dense<0.000000e+00> : vector<256xf32>
    %reduce_sum3A_430 = vector.multi_reduction <add>, %select_n3A_428, %reduce_sum3A_429 [0] : vector<2048x256xf32> to vector<256xf32>
    %broadcast_in_dim3A_431 = vector.shape_cast %reduce_sum3A_430 : vector<256xf32> to vector<1x256xf32>
    %convert_element_type3A_432 = arith.fptosi %broadcast_in_dim3A_431 : vector<1x256xf32> to vector<1x256xi32>
    %broadcast_in_dim3A_433 = vector.shape_cast %convert_element_type3A_432 : vector<1x256xi32> to vector<1x1x256xi32>
    %add3A_434 = vector.broadcast %mul3A_278 : i32 to vector<1x1x256xi32>
    %add3A_435 = arith.addi %broadcast_in_dim3A_433, %add3A_434 : vector<1x1x256xi32>
    %swap3A_436 = arith.constant 0 : index
    %swap3A_437 = arith.constant 0 : index
    %swap3A_438 = arith.constant 1792 : index
    %swap3A_439 = vector.load %arg3[%swap3A_436, %swap3A_437, %swap3A_438] : memref<1x1x2048xi32, #tpu.memory_space<vmem>>, vector<1x1x256xi32>
    tpu.vector_store %arg3[%swap3A_436, %swap3A_437, %swap3A_438], %add3A_435 {strides = array<i32>} : memref<1x1x2048xi32, #tpu.memory_space<vmem>>, vector<1x1x256xi32>,
    return
  }
  func.func @transform_0(%arg0: i32) -> (i32, i32, i32) {
    %c0_i32 = arith.constant 0 : i32
    %c0_i32_0 = arith.constant 0 : i32
    %c0_i32_1 = arith.constant 0 : i32
    return %arg0, %c0_i32, %c0_i32_0 : i32, i32, i32
  }
  func.func @transform_1(%arg0: i32) -> (i32, i32) {
    %c0_i32 = arith.constant 0 : i32
    %c0_i32_0 = arith.constant 0 : i32
    %c0_i32_1 = arith.constant 0 : i32
    return %c0_i32, %c0_i32_0 : i32, i32
  }
  func.func @transform_2(%arg0: i32) -> (i32, i32, i32) {
    %c0_i32 = arith.constant 0 : i32
    %c0_i32_0 = arith.constant 0 : i32
    %c0_i32_1 = arith.constant 0 : i32
    return %arg0, %c0_i32, %c0_i32_0 : i32, i32, i32
  }
}

module attributes {stable_mosaic.version = 14 : i64} {
  func.func @_mlp_body(%arg0: i32, %arg1: memref<2048x1024xf32, #tpu.memory_space<vmem>>, %arg2: memref<1024x1024xf32, #tpu.memory_space<vmem>>, %arg3: memref<1x1024xf32, #tpu.memory_space<vmem>>, %arg4: memref<1024x1024xf32, #tpu.memory_space<vmem>>, %arg5: memref<1x1024xf32, #tpu.memory_space<vmem>>, %arg6: memref<2048x1024xf32, #tpu.memory_space<vmem>>) attributes {dimension_semantics = [#tpu.dimension_semantics<arbitrary>], iteration_bounds = array<i64: 4>, scalar_prefetch = 0 : i64, scratch_operands = 0 : i64, tpu.core_type = #tpu.core_type<tc>, window_params = [{pipeline_mode = #tpu.pipeline_mode<synchronous>, transform_indices = @transform_0, window_bounds = array<i64: 2048, 1024>}, {transform_indices = @transform_1, window_bounds = array<i64: 1024, 1024>}, {transform_indices = @transform_2, window_bounds = array<i64: 1, 1024>}, {transform_indices = @transform_3, window_bounds = array<i64: 1024, 1024>}, {pipeline_mode = #tpu.pipeline_mode<synchronous>, transform_indices = @transform_4, window_bounds = array<i64: 1, 1024>}, {pipeline_mode = #tpu.pipeline_mode<synchronous>, transform_indices = @transform_5, window_bounds = array<i64: 2048, 1024>}]} {
    %get3A = arith.constant 0 : index
    %get3A_0 = arith.constant 0 : index
    %get3A_1 = vector.load %arg1[%get3A, %get3A_0] : memref<2048x1024xf32, #tpu.memory_space<vmem>>, vector<2048x1024xf32>
    %get3A_2 = arith.constant 0 : index
    %get3A_3 = arith.constant 0 : index
    %get3A_4 = vector.load %arg2[%get3A_2, %get3A_3] : memref<1024x1024xf32, #tpu.memory_space<vmem>>, vector<1024x1024xf32>
    %dot_general3A = arith.constant dense<0.000000e+00> : vector<2048x1024xf32>
    %dot_general3A_5 = tpu.matmul %get3A_1, %get3A_4, %dot_general3A {dimension_numbers = #tpu.dot_dimension_numbers<[1], [0], [0], [1], [0, 0, 1, 1], [], []>, transpose_lhs_hint = false} : vector<2048x1024xf32>, vector<1024x1024xf32>, vector<2048x1024xf32> -> vector<2048x1024xf32>
    %get3A_6 = arith.constant 0 : index
    %get3A_7 = arith.constant 0 : index
    %get3A_8 = vector.load %arg3[%get3A_6, %get3A_7] : memref<1x1024xf32, #tpu.memory_space<vmem>>, vector<1x1024xf32>
    %add3A = vector.broadcast %get3A_8 : vector<1x1024xf32> to vector<2048x1024xf32>
    %add3A_9 = arith.addf %dot_general3A_5, %add3A : vector<2048x1024xf32>
    %integer_pow3A = arith.mulf %add3A_9, %add3A_9 : vector<2048x1024xf32>
    %integer_pow3A_10 = arith.mulf %add3A_9, %integer_pow3A : vector<2048x1024xf32>
    %mul3A = arith.constant 4.471500e-02 : f32
    %mul3A_11 = vector.broadcast %mul3A : f32 to vector<2048x1024xf32>
    %mul3A_12 = arith.mulf %mul3A_11, %integer_pow3A_10 : vector<2048x1024xf32>
    %add3A_13 = arith.addf %add3A_9, %mul3A_12 : vector<2048x1024xf32>
    %mul3A_14 = arith.constant 0.797884583 : f32
    %mul3A_15 = vector.broadcast %mul3A_14 : f32 to vector<2048x1024xf32>
    %mul3A_16 = arith.mulf %mul3A_15, %add3A_13 : vector<2048x1024xf32>
    %tanh3A = math.tanh %mul3A_16 : vector<2048x1024xf32>
    %add3A_17 = arith.constant 1.000000e+00 : f32
    %add3A_18 = vector.broadcast %add3A_17 : f32 to vector<2048x1024xf32>
    %add3A_19 = arith.addf %add3A_18, %tanh3A : vector<2048x1024xf32>
    %mul3A_20 = arith.constant 5.000000e-01 : f32
    %mul3A_21 = vector.broadcast %mul3A_20 : f32 to vector<2048x1024xf32>
    %mul3A_22 = arith.mulf %mul3A_21, %add3A_19 : vector<2048x1024xf32>
    %mul3A_23 = arith.mulf %add3A_9, %mul3A_22 : vector<2048x1024xf32>
    %get3A_24 = arith.constant 0 : index
    %get3A_25 = arith.constant 0 : index
    %get3A_26 = vector.load %arg4[%get3A_24, %get3A_25] : memref<1024x1024xf32, #tpu.memory_space<vmem>>, vector<1024x1024xf32>
    %dot_general3A_27 = arith.constant dense<0.000000e+00> : vector<2048x1024xf32>
    %dot_general3A_28 = tpu.matmul %mul3A_23, %get3A_26, %dot_general3A_27 {dimension_numbers = #tpu.dot_dimension_numbers<[1], [0], [0], [1], [0, 0, 1, 1], [], []>, transpose_lhs_hint = false} : vector<2048x1024xf32>, vector<1024x1024xf32>, vector<2048x1024xf32> -> vector<2048x1024xf32>
    %eq3A = arith.constant 0 : i32
    %eq3A_29 = arith.cmpi eq, %arg0, %eq3A : i32
    %convert_element_type3A = arith.extui %eq3A_29 : i1 to i32
    %cond3A = arith.constant 0 : i32
    %cond3A_30 = arith.cmpi ne, %convert_element_type3A, %cond3A : i32
    scf.if %cond3A_30 {
      %get3A_35 = arith.constant 0 : index
      %get3A_36 = arith.constant 0 : index
      %get3A_37 = vector.load %arg5[%get3A_35, %get3A_36] : memref<1x1024xf32, #tpu.memory_space<vmem>>, vector<1x1024xf32>
      %add3A_38 = vector.broadcast %get3A_37 : vector<1x1024xf32> to vector<2048x1024xf32>
      %add3A_39 = arith.addf %dot_general3A_28, %add3A_38 : vector<2048x1024xf32>
      %swap3A = arith.constant 0 : index
      %swap3A_40 = arith.constant 0 : index
      %swap3A_41 = vector.load %arg6[%swap3A, %swap3A_40] : memref<2048x1024xf32, #tpu.memory_space<vmem>>, vector<2048x1024xf32>
      tpu.vector_store %arg6[%swap3A, %swap3A_40], %add3A_39 {strides = array<i32>} : memref<2048x1024xf32, #tpu.memory_space<vmem>>, vector<2048x1024xf32>,
    } else {
    }
    %ne3A = arith.constant 0 : i32
    %ne3A_31 = arith.cmpi ne, %arg0, %ne3A : i32
    %convert_element_type3A_32 = arith.extui %ne3A_31 : i1 to i32
    %cond3A_33 = arith.constant 0 : i32
    %cond3A_34 = arith.cmpi ne, %convert_element_type3A_32, %cond3A_33 : i32
    scf.if %cond3A_34 {
      %get3A_35 = arith.constant 0 : index
      %get3A_36 = arith.constant 0 : index
      %get3A_37 = vector.load %arg6[%get3A_35, %get3A_36] : memref<2048x1024xf32, #tpu.memory_space<vmem>>, vector<2048x1024xf32>
      %add3A_38 = arith.addf %get3A_37, %dot_general3A_28 : vector<2048x1024xf32>
      %swap3A = arith.constant 0 : index
      %swap3A_39 = arith.constant 0 : index
      %swap3A_40 = vector.load %arg6[%swap3A, %swap3A_39] : memref<2048x1024xf32, #tpu.memory_space<vmem>>, vector<2048x1024xf32>
      tpu.vector_store %arg6[%swap3A, %swap3A_39], %add3A_38 {strides = array<i32>} : memref<2048x1024xf32, #tpu.memory_space<vmem>>, vector<2048x1024xf32>,
    } else {
    }
    return
  }
  func.func @transform_0(%arg0: i32) -> (i32, i32) {
    %c0_i32 = arith.constant 0 : i32
    %c0_i32_0 = arith.constant 0 : i32
    %c0_i32_1 = arith.constant 0 : i32
    return %c0_i32, %c0_i32_0 : i32, i32
  }
  func.func @transform_1(%arg0: i32) -> (i32, i32) {
    %c0_i32 = arith.constant 0 : i32
    %c0_i32_0 = arith.constant 0 : i32
    return %c0_i32, %arg0 : i32, i32
  }
  func.func @transform_2(%arg0: i32) -> (i32, i32) {
    %c0_i32 = arith.constant 0 : i32
    %c0_i32_0 = arith.constant 0 : i32
    return %c0_i32, %arg0 : i32, i32
  }
  func.func @transform_3(%arg0: i32) -> (i32, i32) {
    %c0_i32 = arith.constant 0 : i32
    %c0_i32_0 = arith.constant 0 : i32
    return %arg0, %c0_i32 : i32, i32
  }
  func.func @transform_4(%arg0: i32) -> (i32, i32) {
    %c0_i32 = arith.constant 0 : i32
    %c0_i32_0 = arith.constant 0 : i32
    %c0_i32_1 = arith.constant 0 : i32
    return %c0_i32, %c0_i32_0 : i32, i32
  }
  func.func @transform_5(%arg0: i32) -> (i32, i32) {
    %c0_i32 = arith.constant 0 : i32
    %c0_i32_0 = arith.constant 0 : i32
    %c0_i32_1 = arith.constant 0 : i32
    return %c0_i32, %c0_i32_0 : i32, i32
  }
}

</mosaic_0001>

<sc_bundles>
// kernel: kernel.10.cloned.1.call-start
scs
__scs_entry_jumppad:
0x0: {  	(pc) =	sbr.rel $0x88, $3  }
0x1: {  	(tag) =	ssettag $0x0;
	lr =	simm.s32 $0x1  }
0x2: {  	[smem:$0x3F9B] =	sst lr;
	_ =	strace $0xD0000000  }
0x3: {  	_ = 	snop  }
0x4: {  	_ = 	snop  }
0x5: {  	_ = 	snop  }
0x6: {  	_ = 	snop  }
0x7: {  	_ = 	snop  }
__scs_overlays_trampoline_lowered:
0x8: {  	[smem:$0x3FAA] =	sst s0  }
0x9: {  	[smem:$0x3FAB] =	sst s1  }
0xa: {  	[smem:$0x3FAC] =	sst s2  }
0xb: {  	[smem:$0x3FAD] =	sst s3  }
0xc: {  	[smem:$0x3FAE] =	sst s4  }
0xd: {  	[smem:$0x3FAF] =	sst s5  }
0xe: {  	[smem:$0x3FB0] =	sst s6  }
0xf: {  	[smem:$0x3FB1] =	sst s7  }
0x10: {  	[smem:$0x3FB2] =	sst s8  }
0x11: {  	[smem:$0x3FB3] =	sst s9;
	s0 =	simm.s32 @!p0 $0x0  }
0x12: {  	s1 =	sld [smem:$0x3F99];
	s0 =	simm.s32 @p0 $0x1  }
0x13: {  	[smem:$0x3FB4] =	sst s0;
	s0 =	simm.s32 @!p1 $0x0  }
0x14: {  	s2 =	sld [smem:$0x3F98];
	s0 =	simm.s32 @p1 $0x1  }
0x15: {  	[smem:$0x3FB5] =	sst s0;
	s0 =	simm.s32 @!p2 $0x0  }
0x16: {  	s3 =	sld [smem:$0x3FDB];
	s0 =	simm.s32 @p2 $0x1  }
0x17: {  	s4 =	simm.s32 $0x1BF5;
	[smem:$0x3FB7] =	sst s0  }
0x18: {  	s0 =	sld [smem:$0x3F9A];
	_ =	swait.ge [sflag:s4], $0x0  }
0x19: {  	s7 =	sld [smem:$0x3F9B]  }
0x1a: {  	s8 =	sadd.s32 $0xFFFFE003, lr  }
0x1b: {  	s9 =	sadd.s32 $0xFFFFFEF7, lr;
	s5 =	simm.s32 $0xFFFFFFFF;
	p2 =	slt.u32 s8, $0xFFFFF086  }
0x1c: {  	p1 =	slt.u32 s9, $0xF7A;
	s5 =	simm.s32 @!p2 $0x0  }
0x1d: {  	s5 =	simm.s32 @p1 $0x1;
	p0 =	seq.s32 s7, s2  }
0x1e: {  	s7 =	smul.u32 @!p0 $0xF7A, s2;
	p2 =	seq.s32 @!p0 s5, $0x0  }
0x1f: {  	s9 =	smul.u32 $0xF7A, s1;
	s8 =	simm.s32 @!p0 $0x1BF5;
	p2 =	por !p2, p0  }
0x20: {  	[sflag:s8] =	ssyncset.s32 @!p0 $0xFFFFF086;
	s6 =	sadd.s32 @!p0 s3, s7;
	s7 =	simm.s32 @!p0 $0x108  }
0x21: {  	s3 =	sadd.s32 s3, s9;
	s6 =	sadd.s32 @!p0 $0x88, s6;
	s7 =	simm.s32 @p2 $0x1082  }
0x22: {  	[simem:s7], [sflag:s8] =	dma.local @!p0 [hbm:s6], $0xF7A  }
0x23: {  	s9 =	sor.u32 $0xD0000000, s2;
	s6 =	simm.s32 $0x108;
	_ =	swait.ge @!p0 [sflag:s8], $0x0  }
0x24: {  	s3 =	sadd.s32 $0x88, s3;
	s6 =	simm.s32 @!p1 $0x1082;
	[sflag:s4] =	ssyncset.s32 $0xFFFFF086  }
0x25: {  	[simem:s6], [sflag:s4] =	dma.local [hbm:s3], $0xF7A  }
0x26: {  	[smem:$0x3F9B] =	sst s1;
	(tag) =	ssettag s2;
	_ =	strace s9  }
0x27: {  	s1 =	sld [smem:$0x3FAB]  }
0x28: {  	s2 =	sld [smem:$0x3FAC]  }
0x29: {  	s4 =	sld [smem:$0x3FAE]  }
0x2a: {  	p0 =	seq.s32 s5, $0x0;
	s5 =	sld [smem:$0x3FAF]  }
0x2b: {  	s6 =	sld [smem:$0x3FB0]  }
0x2c: {  	s7 =	sld [smem:$0x3FB1]  }
0x2d: {  	s3 =	simm.s32 $0x108;
	s8 =	sld [smem:$0x3FB2]  }
0x2e: {  	s3 =	simm.s32 @!p0 $0x1082;
	s9 =	sld [smem:$0x3FB3]  }
0x2f: {  	lr =	sadd.s32 s0, s3;
	s0 =	sld [smem:$0x3FAA]  }
0x30: {  	s3 =	sld [smem:$0x3FAD]  }
0x31: {  	[smem:$0x3FB6] =	sst s10  }
0x32: {  	s10 =	sld [smem:$0x3FB4];
	_ =	sdelay $0x3  }
0x33: {  	p0 =	seq.s32 s10, $0x1;
	s10 =	sld [smem:$0x3FB6];
	_ =	sdelay $0x3  }
0x34: {  	[smem:$0x3FB6] =	sst s10  }
0x35: {  	s10 =	sld [smem:$0x3FB5];
	_ =	sdelay $0x3  }
0x36: {  	p1 =	seq.s32 s10, $0x1;
	s10 =	sld [smem:$0x3FB6];
	_ =	sdelay $0x3  }
0x37: {  	[smem:$0x3FB6] =	sst s10  }
0x38: {  	s10 =	sld [smem:$0x3FB7]  }
0x39: {  	_ = 	snop;
	(pc) =	sbr.ind lr, $3  }
0x3a: {  	_ = 	snop  }
0x3b: {  	_ = 	snop  }
0x3c: {  	p2 =	seq.s32 s10, $0x1;
	s10 =	sld [smem:$0x3FB6]  }
0x3d: {  	_ =	shalt  }
0x3e: {  	_ =	shalt  }
0x3f: {  	_ =	shalt  }
0x40: {  	_ =	shalt  }
0x41: {  	_ =	shalt  }
0x42: {  	_ =	shalt  }
0x43: {  	_ =	shalt  }
0x44: {  	_ =	shalt  }
0x45: {  	_ =	shalt  }
0x46: {  	_ =	shalt  }
0x47: {  	_ =	shalt  }
0x48: {  	_ =	shalt  }
0x49: {  	_ =	shalt  }
0x4a: {  	_ =	shalt  }
0x4b: {  	_ =	shalt  }
0x4c: {  	_ =	shalt  }
0x4d: {  	_ =	shalt  }
0x4e: {  	_ =	shalt  }
0x4f: {  	_ =	shalt  }
0x50: {  	_ =	shalt  }
0x51: {  	_ =	shalt  }
0x52: {  	_ =	shalt  }
0x53: {  	_ =	shalt  }
0x54: {  	_ =	shalt  }
0x55: {  	_ =	shalt  }
0x56: {  	_ =	shalt  }
0x57: {  	_ =	shalt  }
0x58: {  	_ =	shalt  }
0x59: {  	_ =	shalt  }
0x5a: {  	_ =	shalt  }
0x5b: {  	_ =	shalt  }
0x5c: {  	_ =	shalt  }
0x5d: {  	_ =	shalt  }
0x5e: {  	_ =	shalt  }
0x5f: {  	_ =	shalt  }
0x60: {  	_ =	shalt  }
0x61: {  	_ =	shalt  }
0x62: {  	_ =	shalt  }
0x63: {  	_ =	shalt  }
0x64: {  	_ =	shalt  }
0x65: {  	_ =	shalt  }
0x66: {  	_ =	shalt  }
0x67: {  	_ =	shalt  }
0x68: {  	_ =	shalt  }
0x69: {  	_ =	shalt  }
0x6a: {  	_ =	shalt  }
0x6b: {  	_ =	shalt  }
0x6c: {  	_ =	shalt  }
0x6d: {  	_ =	shalt  }
0x6e: {  	_ =	shalt  }
0x6f: {  	_ =	shalt  }
0x70: {  	_ =	shalt  }
0x71: {  	_ =	shalt  }
0x72: {  	_ =	shalt  }
0x73: {  	_ =	shalt  }
0x74: {  	_ =	shalt  }
0x75: {  	_ =	shalt  }
0x76: {  	_ =	shalt  }
0x77: {  	_ =	shalt  }
0x78: {  	_ =	shalt  }
0x79: {  	_ =	shalt  }
0x7a: {  	_ =	shalt  }
0x7b: {  	_ =	shalt  }
0x7c: {  	_ =	shalt  }
0x7d: {  	_ =	shalt  }
0x7e: {  	_ =	shalt  }
0x7f: {  	_ =	shalt  }
0x80: {  	_ =	shalt  }
0x81: {  	_ =	shalt  }
0x82: {  	_ =	shalt  }
0x83: {  	_ =	shalt  }
0x84: {  	_ =	shalt  }
0x85: {  	_ =	shalt  }
0x86: {  	_ =	shalt  }
0x87: {  	_ =	shalt  }
.Lfunc_end0:
.L_simem_size_0:
called_computation.1_lowered:
.L_overlay_start_0:
0x88: {  	s2 =	sld [smem:$0x3FD9]  }
0x89: {  	s3 =	sld [smem:$0x3FFE];
	_ =	sdelay $0x1  }
0x8a: {  	s1 =	srdreg.scid  }
0x8b: {  	s0 =	sand.u32 $0x1, s1  }
0x8c: {  	s17 =	sshll.u32 s0, $0xA;
	s2 =	sadd.s32 s3, s2  }
0x8d: {  	s2 =	sadd.s32 s2, s17  }
0x8e: {  	[smem:$0x3FC2] =	sst s2  }
0x8f: {  	_ = 	snop  }
0x90: {  	s2 =	sld [smem:$0x3FC9];
	(tm) =	ssettm $0x1  }
0x91: {  	s18 =	sld [smem:$0x3FFB];
	_ =	sdelay $0x3  }
0x92: {  	_ =	strace s18  }
0x93: {  	s3 =	sld [smem:$0x3FFC];
	_ =	sdelay $0x3  }
0x94: {  	_ =	strace s3  }
0x95: {  	s3 =	sld [smem:$0x3FFD];
	_ =	sdelay $0x3  }
0x96: {  	_ =	strace s3  }
0x97: {  	_ =	strace $0x8FFFFFFF  }
0x98: {  	s19 =	sld [smem:$0x3FDB];
	_ =	sdelay $0x1  }
0x99: {  	s4 =	simm.s32 $_scs_section_size  }
0x9a: {  	s5 =	simm.s32 $_size__tile_overlayer_lowered;
	s6 =	simm.s32 $_tile_overlayer_lowered  }
0x9b: {  	s22 =	simm.s32 $0x1BFF;
	s21 =	sshll.u32 s6, $0x1;
	s3 =	sadd.s32 s4, s19  }
0x9c: {  	s7 =	simm.s32 $0x0;
	s20 =	sshll.u32 s5, $0x1;
	s5 =	sadd.s32 s21, s3  }
0x9d: {  	[timem:s7], [sflag:s22] =	dma.local [hbm:s5], s20  }
0x9e: {  	_ =	swait.ge [sflag:s22], s20  }
0x9f: {  	s4 =	ssub.s32 $0x0, s20;
	[sflag:s22] =	ssyncset.done $0x0  }
0xa0: {  	[sflag:s22] =	ssyncadd.s32 s4;
	_ =	sdelay $0x1  }
0xa1: {  	s23 =	simm.s32 $0x1B8B  }
0xa2: {  	_ =	swait.ge [sflag:s23], $0x1  }
0xa3: {  	[sflag:s23] =	ssyncset.done $0x0  }
0xa4: {  	s25 =	simm.s32 $0x1B8E;
	s24 =	sld [smem:$0x3FFE];
	[sflag:s23] =	ssyncadd.s32 $0xFFFFFFFF  }
0xa5: {  	s26 =	simm.s32 $execute0_lowered;
	[smem:$0x3FD2] =	sst s25  }
0xa6: {  	s5 =	sshll.u32 s26, $0x1;
	_ =	strace $0x80000046;
	[dreg:$0x1] =	wrdreg $0xFFFFFFFF  }
0xa7: {  	s28 =	simm.s32 $_size_execute0_lowered;
	s3 =	sadd.s32 s3, s5;
	[dreg:$0x0] =	wrdreg $0x0  }
0xa8: {  	s5 =	sshll.u32 s28, $0x1;
	[dreg:$0x2] =	wrdreg s3  }
0xa9: {  	[dreg:$0x3] =	wrdreg s5  }
0xaa: {  	[dreg:$0x4] =	wrdreg $0xC0  }
0xab: {  	_ =	task [dreg:s7], $0x5FFFF  }
0xac: {  	[dreg:$0x1] =	wrdreg $0xFFFFFFFF  }
0xad: {  	[dreg:$0x0] =	wrdreg $0x60  }
0xae: {  	[dreg:$0x2] =	wrdreg s2  }
0xaf: {  	[dreg:$0x3] =	wrdreg s24  }
0xb0: {  	[dreg:$0x4] =	wrdreg $0xA  }
0xb1: {  	_ =	task.clear_ibuf [dreg:s7], $0x5FFFF;
	_ =	strace $0x90000046  }
0xb2: {  	s29 =	simm.s32 $0xA;
	_ =	strace $0x80000048  }
0xb3: {  	_ =	swait.ge [sflag:s29], $0x1  }
0xb4: {  	[sflag:s29] =	ssyncadd.s32 $0xFFFFFFFF  }
0xb5: {  	_ =	strace $0x90000048  }
0xb6: {  	_ =	sfence  }
0xb7: {  	s30 =	sld [smem:$0x0];
	_ =	sdelay $0x2  }
0xb8: {  	s31 =	sshll.u32 s1, $0xD;
	s1 =	sshrl.u32 s1, $0x2  }
0xb9: {  	s3 =	sand.u32 $0x4000, s31;
	s1 =	sadd.s32 s1, s30  }
0xba: {  	s0 =	sor.u32 s3, s0;
	s1 =	sshll.u32 s1, $0x11  }
0xbb: {  	s0 =	sor.u32 s1, s0  }
0xbc: {  	s0 =	sadd.s32 $0x8F2B, s0  }
0xbd: {  	[sflag:s0] =	ssyncadd.remote.s32 $0x1  }
0xbe: {  	_ =	sfence.sel $0xFFFF  }
0xbf: {  	[dreg:$0x0] =	wrdreg $0xFFFFFFFF;
	(pc) =	sbr.abs _section_cstart, $3  }
0xc0: {  	[dreg:$0x1] =	wrdreg $0xFFFFFFFF  }
0xc1: {  	_ =	task.clear_ibuf [dreg:s7], $0x2FFFF;
	_ =	strace $0x9FFFFFFF  }
0xc2: {  	(tm) =	ssettm $0x7FFFFFFF  }
0xc3: {  	_ =	shalt  }
tec
execute0_lowered:
.L_overlay_start_1:
0x0: {  	(tag) =	ssettag $0x1  }
0x1: {  	s1 =	srdreg.scid;
	s2 =	rddreg [dreg:$0x0]  }
0x2: {  	s0 =	stileid.u32;
	s5 =	rddreg [dreg:$0x1];
	s17 =	simm.s32 $0x880  }
0x3: {  	s18 =	simm.s32 $0x1080;
	s19 =	simm.s32 $0x1880;
	s21 =	simm.s32 $0x2080  }
0x4: {  	s22 =	simm.s32 $0x2880;
	s23 =	simm.s32 $0x3080;
	s24 =	simm.s32 $0x3880  }
0x5: {  	s8 =	simm.s32 $0x4080;
	s1 =	sand.u32 $0x1, s1;
	s3 =	sshll.u32 s0, $0x1  }
0x6: {  	s25 =	simm.s32 $0x4880;
	s4 =	sor.u32 s1, s3;
	s3 =	simm.s32 $0x0  }
0x7: {  	s26 =	simm.s32 $0x5080;
	s9 =	simm.s32 $0x80;
	[smem:$0x7FF] =	sst s3  }
0x8: {  	s11 =	simm.s32 $0x6080;
	_ =	strace $0x80000047;
	[dreg:$0x5] =	wrdreg s17  }
0x9: {  	s12 =	simm.s32 $0x6880;
	s13 =	simm.s32 $0x7080;
	[dreg:$0x6] =	wrdreg s18  }
0xa: {  	s14 =	simm.s32 $0x7880;
	s28 =	simm.s32 $0xE080;
	[dreg:$0x7] =	wrdreg s19  }
0xb: {  	s29 =	simm.s32 $0xE880;
	s30 =	simm.s32 $0xF080;
	[dreg:$0x8] =	wrdreg s21  }
0xc: {  	s31 =	simm.s32 $0xF880;
	s15 =	sshll.u32 s0, $0x4;
	[dreg:$0x9] =	wrdreg s22  }
0xd: {  	s7 =	sand.u32 $0x80, s15;
	s1 =	ssub.s32 $0x2, s1;
	[dreg:$0xa] =	wrdreg s23  }
0xe: {  	s15 =	simm.s32 $0x8080;
	s6 =	sshll.u32 s4, $0x3;
	[dreg:$0xb] =	wrdreg s24  }
0xf: {  	s4 =	sshll.u32 s4, $0xD;
	s20 =	sshrl.u32 s1, $0x1;
	[dreg:$0xc] =	wrdreg s8  }
0x10: {  	s6 =	sadd.s32 s6, s7;
	s4 =	sadd.s32 s4, s5;
	[dreg:$0xd] =	wrdreg s25  }
0x11: {  	s1 =	ssub.s32 s1, s20;
	s8 =	simm.s32 $0x2;
	[dreg:$0xe] =	wrdreg s26  }
0x12: {  	s17 =	simm.s32 $0x9080;
	s18 =	simm.s32 $0x9880;
	s19 =	simm.s32 $0xA080  }
0x13: {  	s20 =	simm.s32 $0xA880;
	s21 =	simm.s32 $0xB080;
	s22 =	simm.s32 $0xB880  }
0x14: {  	s23 =	simm.s32 $0xC080;
	s24 =	simm.s32 $0xC880;
	s25 =	simm.s32 $0xD080  }
0x15: {  	s26 =	simm.s32 $0xD880;
	s6 =	sadd.s32 s6, s5;
	s4 =	sadd.s32 $0x1A00, s4  }
0x16: {  	v2 =	vlaneseq.u32;
	s5 =	sadd.s32 $0x200, s2;
	s7 =	smax.u32 s1, $0x1;
	s1 =	simm.s32 $0x1  }
0x17: {  	vm0 =	vmmov $0xffff;
	v1 =	vshrl.u32 v2, $0x3;
	s16 =	sadd.s32 $0x1800, s6;
	[dreg:$0x4] =	wrdreg s4;
	s4 =	sadd.s32 $0x100, s2  }
0x18: {  	v0 =	vand.u32 $0x7, v2;
	v2 =	vor.u32 $0x8, v2;
	v1 =	vmul.u32 $0x8, v1;
	s6 =	sadd.s32 $0x300, s2;
	[dreg:$0x3] =	wrdreg s16;
	s16 =	simm.s32 $0x8880  }
.LBB2_1:
0x19: {  	s0 =	rddreg [dreg:$0x3]  }
0x1a: {  	[tilespmem:s3], [sflag:$0x2] =	stream.linear.gather [hbm4b:s0+s3], $0x40, $0x38;
	[tilespmem:$0x10080] =	vst v63  }
0x1b: {  	_ =	swait.ge [sflag:s8], $0x40  }
0x1c: {  	[sflag:s8] =	ssyncset.done $0x0  }
0x1d: {  	[sflag:s8] =	ssyncadd.s32 $0xFFFFFFC0  }
0x1e: {  	v3 =	vld [tilespmem:$0x0];
	_ =	sdelay $0x4  }
0x1f: {  	v4 =	vshll.u32 v3, $0x3  }
0x20: {  	v3 =	vand.u32 $0x7, v3;
	v4 =	vand.u32 $0xFFFFFFC0, v4  }
0x21: {  	v3 =	vor.u32 v3, v4  }
0x22: {  	v4 =	vperm.xlane v3, v0;
	_ =	sdelay $0x1  }
0x23: {  	v4 =	vadd.s32 v1, v4;
	_ =	sdelay $0x4  }
0x24: {  	[tilespmem:s9], [sflag:$0x1] =	stream.indirect_vreg.gather [hbm4b:s2+s3], $0x80, v4, vm0, $0xb8;
	[tilespmem:$0x10080] =	vst v63  }
0x25: {  	s0 =	rddreg [dreg:$0x5];
	v3 =	vperm.xlane v3, v2  }
0x26: {  	[tilespmem:s0], [sflag:$0x1] =	stream.indirect_vreg.gather [hbm4b:s4+s3], $0x80, v4, vm0, $0xb8;
	[tilespmem:$0x10080] =	vst v63  }
0x27: {  	s10 =	rddreg [dreg:$0x6];
	v3 =	vadd.s32 v1, v3  }
0x28: {  	[tilespmem:s10], [sflag:$0x1] =	stream.indirect_vreg.gather [hbm4b:s5+s3], $0x80, v4, vm0, $0xb8;
	[tilespmem:$0x10080] =	vst v63  }
0x29: {  	s0 =	rddreg [dreg:$0x7]  }
0x2a: {  	[tilespmem:s0], [sflag:$0x1] =	stream.indirect_vreg.gather [hbm4b:s6+s3], $0x80, v4, vm0, $0xb8;
	[tilespmem:$0x10080] =	vst v63  }
0x2b: {  	s10 =	rddreg [dreg:$0x8]  }
0x2c: {  	[tilespmem:s10], [sflag:$0x1] =	stream.indirect_vreg.gather [hbm4b:s2+s3], $0x80, v3, vm0, $0xb8;
	[tilespmem:$0x10080] =	vst v63  }
0x2d: {  	s0 =	rddreg [dreg:$0x9]  }
0x2e: {  	[tilespmem:s0], [sflag:$0x1] =	stream.indirect_vreg.gather [hbm4b:s4+s3], $0x80, v3, vm0, $0xb8;
	[tilespmem:$0x10080] =	vst v63  }
0x2f: {  	s10 =	rddreg [dreg:$0xa]  }
0x30: {  	[tilespmem:s10], [sflag:$0x1] =	stream.indirect_vreg.gather [hbm4b:s5+s3], $0x80, v3, vm0, $0xb8;
	[tilespmem:$0x10080] =	vst v63  }
0x31: {  	s0 =	rddreg [dreg:$0xb]  }
0x32: {  	[tilespmem:s0], [sflag:$0x1] =	stream.indirect_vreg.gather [hbm4b:s6+s3], $0x80, v3, vm0, $0xb8;
	[tilespmem:$0x10080] =	vst v63  }
0x33: {  	v3 =	vld [tilespmem:$0x10];
	_ =	sdelay $0x4  }
0x34: {  	v61 =	vshll.u32 v3, $0x3  }
0x35: {  	v3 =	vand.u32 $0x7, v3;
	v4 =	vand.u32 $0xFFFFFFC0, v61  }
0x36: {  	v3 =	vor.u32 v3, v4  }
0x37: {  	v4 =	vperm.xlane v3, v0;
	_ =	sdelay $0x1  }
0x38: {  	v4 =	vadd.s32 v1, v4;
	_ =	sdelay $0x3  }
0x39: {  	s0 =	rddreg [dreg:$0xc]  }
0x3a: {  	[tilespmem:s0], [sflag:$0x1] =	stream.indirect_vreg.gather [hbm4b:s2+s3], $0x80, v4, vm0, $0xb8;
	[tilespmem:$0x10080] =	vst v63  }
0x3b: {  	s10 =	rddreg [dreg:$0xd];
	v3 =	vperm.xlane v3, v2  }
0x3c: {  	[tilespmem:s10], [sflag:$0x1] =	stream.indirect_vreg.gather [hbm4b:s4+s3], $0x80, v4, vm0, $0xb8;
	[tilespmem:$0x10080] =	vst v63  }
0x3d: {  	v3 =	vadd.s32 v1, v3;
	s0 =	rddreg [dreg:$0xe]  }
0x3e: {  	[tilespmem:s0], [sflag:$0x1] =	stream.indirect_vreg.gather [hbm4b:s5+s3], $0x80, v4, vm0, $0xb8;
	[tilespmem:$0x10080] =	vst v63  }
0x3f: {  	s10 =	simm.s32 $0x5880  }
0x40: {  	[tilespmem:s10], [sflag:$0x1] =	stream.indirect_vreg.gather [hbm4b:s6+s3], $0x80, v4, vm0, $0xb8;
	[tilespmem:$0x10080] =	vst v63  }
0x41: {  	_ = 	snop  }
0x42: {  	[tilespmem:s11], [sflag:$0x1] =	stream.indirect_vreg.gather [hbm4b:s2+s3], $0x80, v3, vm0, $0xb8;
	[tilespmem:$0x10080] =	vst v63  }
0x43: {  	_ = 	snop  }
0x44: {  	[tilespmem:s12], [sflag:$0x1] =	stream.indirect_vreg.gather [hbm4b:s4+s3], $0x80, v3, vm0, $0xb8;
	[tilespmem:$0x10080] =	vst v63  }
0x45: {  	_ = 	snop  }
0x46: {  	[tilespmem:s13], [sflag:$0x1] =	stream.indirect_vreg.gather [hbm4b:s5+s3], $0x80, v3, vm0, $0xb8;
	[tilespmem:$0x10080] =	vst v63  }
0x47: {  	_ = 	snop  }
0x48: {  	[tilespmem:s14], [sflag:$0x1] =	stream.indirect_vreg.gather [hbm4b:s6+s3], $0x80, v3, vm0, $0xb8;
	[tilespmem:$0x10080] =	vst v63  }
0x49: {  	v3 =	vld [tilespmem:$0x20];
	_ =	sdelay $0x4  }
0x4a: {  	v62 =	vshll.u32 v3, $0x3  }
0x4b: {  	v3 =	vand.u32 $0x7, v3;
	v4 =	vand.u32 $0xFFFFFFC0, v62  }
0x4c: {  	v3 =	vor.u32 v3, v4  }
0x4d: {  	v4 =	vperm.xlane v3, v0;
	_ =	sdelay $0x1  }
0x4e: {  	v4 =	vadd.s32 v1, v4;
	_ =	sdelay $0x4  }
0x4f: {  	[tilespmem:s15], [sflag:$0x1] =	stream.indirect_vreg.gather [hbm4b:s2+s3], $0x80, v4, vm0, $0xb8;
	[tilespmem:$0x10080] =	vst v63  }
0x50: {  	v3 =	vperm.xlane v3, v2  }
0x51: {  	[tilespmem:s16], [sflag:$0x1] =	stream.indirect_vreg.gather [hbm4b:s4+s3], $0x80, v4, vm0, $0xb8;
	[tilespmem:$0x10080] =	vst v63  }
0x52: {  	v3 =	vadd.s32 v1, v3  }
0x53: {  	[tilespmem:s17], [sflag:$0x1] =	stream.indirect_vreg.gather [hbm4b:s5+s3], $0x80, v4, vm0, $0xb8;
	[tilespmem:$0x10080] =	vst v63  }
0x54: {  	_ = 	snop  }
0x55: {  	[tilespmem:s18], [sflag:$0x1] =	stream.indirect_vreg.gather [hbm4b:s6+s3], $0x80, v4, vm0, $0xb8;
	[tilespmem:$0x10080] =	vst v63  }
0x56: {  	_ = 	snop  }
0x57: {  	[tilespmem:s19], [sflag:$0x1] =	stream.indirect_vreg.gather [hbm4b:s2+s3], $0x80, v3, vm0, $0xb8;
	[tilespmem:$0x10080] =	vst v63  }
0x58: {  	_ = 	snop  }
0x59: {  	[tilespmem:s20], [sflag:$0x1] =	stream.indirect_vreg.gather [hbm4b:s4+s3], $0x80, v3, vm0, $0xb8;
	[tilespmem:$0x10080] =	vst v63  }
0x5a: {  	_ = 	snop  }
0x5b: {  	[tilespmem:s21], [sflag:$0x1] =	stream.indirect_vreg.gather [hbm4b:s5+s3], $0x80, v3, vm0, $0xb8;
	[tilespmem:$0x10080] =	vst v63  }
0x5c: {  	_ = 	snop  }
0x5d: {  	[tilespmem:s22], [sflag:$0x1] =	stream.indirect_vreg.gather [hbm4b:s6+s3], $0x80, v3, vm0, $0xb8;
	[tilespmem:$0x10080] =	vst v63  }
0x5e: {  	v3 =	vld [tilespmem:$0x30];
	_ =	sdelay $0x4  }
0x5f: {  	v63 =	vshll.u32 v3, $0x3  }
0x60: {  	v3 =	vand.u32 $0x7, v3;
	v4 =	vand.u32 $0xFFFFFFC0, v63  }
0x61: {  	v3 =	vor.u32 v3, v4  }
0x62: {  	v4 =	vperm.xlane v3, v0;
	_ =	sdelay $0x1  }
0x63: {  	v4 =	vadd.s32 v1, v4;
	_ =	sdelay $0x4  }
0x64: {  	[tilespmem:s23], [sflag:$0x1] =	stream.indirect_vreg.gather [hbm4b:s2+s3], $0x80, v4, vm0, $0xb8;
	[tilespmem:$0x10080] =	vst v63  }
0x65: {  	v3 =	vperm.xlane v3, v2  }
0x66: {  	[tilespmem:s24], [sflag:$0x1] =	stream.indirect_vreg.gather [hbm4b:s4+s3], $0x80, v4, vm0, $0xb8;
	[tilespmem:$0x10080] =	vst v63  }
0x67: {  	v3 =	vadd.s32 v1, v3  }
0x68: {  	[tilespmem:s25], [sflag:$0x1] =	stream.indirect_vreg.gather [hbm4b:s5+s3], $0x80, v4, vm0, $0xb8;
	[tilespmem:$0x10080] =	vst v63  }
0x69: {  	_ = 	snop  }
0x6a: {  	[tilespmem:s26], [sflag:$0x1] =	stream.indirect_vreg.gather [hbm4b:s6+s3], $0x80, v4, vm0, $0xb8;
	[tilespmem:$0x10080] =	vst v63  }
0x6b: {  	_ = 	snop  }
0x6c: {  	[tilespmem:s28], [sflag:$0x1] =	stream.indirect_vreg.gather [hbm4b:s2+s3], $0x80, v3, vm0, $0xb8;
	[tilespmem:$0x10080] =	vst v63  }
0x6d: {  	_ = 	snop  }
0x6e: {  	[tilespmem:s29], [sflag:$0x1] =	stream.indirect_vreg.gather [hbm4b:s4+s3], $0x80, v3, vm0, $0xb8;
	[tilespmem:$0x10080] =	vst v63  }
0x6f: {  	_ = 	snop  }
0x70: {  	[tilespmem:s30], [sflag:$0x1] =	stream.indirect_vreg.gather [hbm4b:s5+s3], $0x80, v3, vm0, $0xb8;
	[tilespmem:$0x10080] =	vst v63  }
0x71: {  	_ = 	snop  }
0x72: {  	[tilespmem:s31], [sflag:$0x1] =	stream.indirect_vreg.gather [hbm4b:s6+s3], $0x80, v3, vm0, $0xb8;
	[tilespmem:$0x10080] =	vst v63  }
0x73: {  	_ =	swait.ge [sflag:s1], $0x10000  }
0x74: {  	p0 =	sne.s32 s7, $0x1;
	[sflag:s1] =	ssyncset.done $0x0  }
.Ltmp0:
0x75: {  	s10 =	rddreg [dreg:$0x4];
	[sflag:s1] =	ssyncadd.s32 $0xFFFF0000;
	(pc) =	sbr.rel @p0 .LBB2_1-.Ltmp0, $4  }
0x76: {  	[hbm4b:s10+s3] =	stream.linear.scatter [tilespmem:s9], [sflag:$0x2], $0x10000, $0x38;
	[tilespmem:$0x10080] =	vst v63  }
0x77: {  	_ =	swait.ge [sflag:s8], $0x10000  }
0x78: {  	[sflag:s8] =	ssyncset.done $0x0  }
0x79: {  	s7 =	sadd.s32 $0xFFFFFFFF, s7;
	[sflag:s8] =	ssyncadd.s32 $0xFFFF0000  }
0x7a: {  	_ =	sfence.sel $0x180000  }
0x7b: {  	[bflag:$0x0] =	sbarrier.arrive $0xFFFF  }
0x7c: {  	_ =	strace $0x90000047  }
0x7d: {  	s0 =	stileid.u32;
	[bflag:$0x2] =	sbarrier.arrive $0xFFFF  }
0x7e: {  	p0 =	sne.s32 s0, $0x0;
	s0 =	rddreg [dreg:$0x2]  }
0x7f: {  	s0 =	sadd.s32 @!p0 $0x100000, s0  }
0x80: {  	[sflag:s0] =	ssyncadd.tile.s32 @!p0 $0x1;
	_ =	shalt  }
.Lfunc_end2:
_tile_overlayer_lowered:
.L_overlay_start_2:
0x81: {  	(tag) =	ssettag $0x2  }
0x82: {  	s0 =	rddreg [dreg:$0x0];
	s2 =	stileid.u32  }
0x83: {  	s1 =	rddreg [dreg:$0x1];
	p0 =	sne.s32 s2, $0x0  }
0x84: {  	s3 =	rddreg [dreg:$0x2];
	[bflag:$0x3] =	sbarrier.arrive $0xFFFF;
	s2 =	simm.s32 @!p0 $0x1C02  }
0x85: {  	[timem:s3], [sflag:s2] =	dma.local @!p0 [hbm:s0], s1  }
0x86: {  	s0 =	simm.s32 @!p0 $0x2  }
0x87: {  	_ =	swait.ge @!p0 [sflag:s0], s1  }
0x88: {  	s1 =	ssub.s32 @!p0 $0x0, s1;
	[sflag:s0] =	ssyncset.done @!p0 $0x0  }
0x89: {  	[sflag:s0] =	ssyncadd.s32 @!p0 s1  }
0x8a: {  	[bflag:$0x3] =	sbarrier.arrive $0xFFFF  }
0x8b: {  	_ =	shalt  }

// kernel: kernel.13.cloned.1.call-start
scs
__scs_entry_jumppad:
0x0: {  	(pc) =	sbr.rel $0x88, $3  }
0x1: {  	(tag) =	ssettag $0x0;
	lr =	simm.s32 $0x1  }
0x2: {  	[smem:$0x3F9B] =	sst lr;
	_ =	strace $0xD0000000  }
0x3: {  	_ = 	snop  }
0x4: {  	_ = 	snop  }
0x5: {  	_ = 	snop  }
0x6: {  	_ = 	snop  }
0x7: {  	_ = 	snop  }
__scs_overlays_trampoline_lowered:
0x8: {  	[smem:$0x3FAA] =	sst s0  }
0x9: {  	[smem:$0x3FAB] =	sst s1  }
0xa: {  	[smem:$0x3FAC] =	sst s2  }
0xb: {  	[smem:$0x3FAD] =	sst s3  }
0xc: {  	[smem:$0x3FAE] =	sst s4  }
0xd: {  	[smem:$0x3FAF] =	sst s5  }
0xe: {  	[smem:$0x3FB0] =	sst s6  }
0xf: {  	[smem:$0x3FB1] =	sst s7  }
0x10: {  	[smem:$0x3FB2] =	sst s8  }
0x11: {  	[smem:$0x3FB3] =	sst s9;
	s0 =	simm.s32 @!p0 $0x0  }
0x12: {  	s1 =	sld [smem:$0x3F99];
	s0 =	simm.s32 @p0 $0x1  }
0x13: {  	[smem:$0x3FB4] =	sst s0;
	s0 =	simm.s32 @!p1 $0x0  }
0x14: {  	s2 =	sld [smem:$0x3F98];
	s0 =	simm.s32 @p1 $0x1  }
0x15: {  	[smem:$0x3FB5] =	sst s0;
	s0 =	simm.s32 @!p2 $0x0  }
0x16: {  	s3 =	sld [smem:$0x3FDB];
	s0 =	simm.s32 @p2 $0x1  }
0x17: {  	s4 =	simm.s32 $0x1BF5;
	[smem:$0x3FB7] =	sst s0  }
0x18: {  	s0 =	sld [smem:$0x3F9A];
	_ =	swait.ge [sflag:s4], $0x0  }
0x19: {  	s7 =	sld [smem:$0x3F9B]  }
0x1a: {  	s8 =	sadd.s32 $0xFFFFE003, lr  }
0x1b: {  	s9 =	sadd.s32 $0xFFFFFEF7, lr;
	s5 =	simm.s32 $0xFFFFFFFF;
	p2 =	slt.u32 s8, $0xFFFFF086  }
0x1c: {  	p1 =	slt.u32 s9, $0xF7A;
	s5 =	simm.s32 @!p2 $0x0  }
0x1d: {  	s5 =	simm.s32 @p1 $0x1;
	p0 =	seq.s32 s7, s2  }
0x1e: {  	s7 =	smul.u32 @!p0 $0xF7A, s2;
	p2 =	seq.s32 @!p0 s5, $0x0  }
0x1f: {  	s9 =	smul.u32 $0xF7A, s1;
	s8 =	simm.s32 @!p0 $0x1BF5;
	p2 =	por !p2, p0  }
0x20: {  	[sflag:s8] =	ssyncset.s32 @!p0 $0xFFFFF086;
	s6 =	sadd.s32 @!p0 s3, s7;
	s7 =	simm.s32 @!p0 $0x108  }
0x21: {  	s3 =	sadd.s32 s3, s9;
	s6 =	sadd.s32 @!p0 $0x88, s6;
	s7 =	simm.s32 @p2 $0x1082  }
0x22: {  	[simem:s7], [sflag:s8] =	dma.local @!p0 [hbm:s6], $0xF7A  }
0x23: {  	s9 =	sor.u32 $0xD0000000, s2;
	s6 =	simm.s32 $0x108;
	_ =	swait.ge @!p0 [sflag:s8], $0x0  }
0x24: {  	s3 =	sadd.s32 $0x88, s3;
	s6 =	simm.s32 @!p1 $0x1082;
	[sflag:s4] =	ssyncset.s32 $0xFFFFF086  }
0x25: {  	[simem:s6], [sflag:s4] =	dma.local [hbm:s3], $0xF7A  }
0x26: {  	[smem:$0x3F9B] =	sst s1;
	(tag) =	ssettag s2;
	_ =	strace s9  }
0x27: {  	s1 =	sld [smem:$0x3FAB]  }
0x28: {  	s2 =	sld [smem:$0x3FAC]  }
0x29: {  	s4 =	sld [smem:$0x3FAE]  }
0x2a: {  	p0 =	seq.s32 s5, $0x0;
	s5 =	sld [smem:$0x3FAF]  }
0x2b: {  	s6 =	sld [smem:$0x3FB0]  }
0x2c: {  	s7 =	sld [smem:$0x3FB1]  }
0x2d: {  	s3 =	simm.s32 $0x108;
	s8 =	sld [smem:$0x3FB2]  }
0x2e: {  	s3 =	simm.s32 @!p0 $0x1082;
	s9 =	sld [smem:$0x3FB3]  }
0x2f: {  	lr =	sadd.s32 s0, s3;
	s0 =	sld [smem:$0x3FAA]  }
0x30: {  	s3 =	sld [smem:$0x3FAD]  }
0x31: {  	[smem:$0x3FB6] =	sst s10  }
0x32: {  	s10 =	sld [smem:$0x3FB4];
	_ =	sdelay $0x3  }
0x33: {  	p0 =	seq.s32 s10, $0x1;
	s10 =	sld [smem:$0x3FB6];
	_ =	sdelay $0x3  }
0x34: {  	[smem:$0x3FB6] =	sst s10  }
0x35: {  	s10 =	sld [smem:$0x3FB5];
	_ =	sdelay $0x3  }
0x36: {  	p1 =	seq.s32 s10, $0x1;
	s10 =	sld [smem:$0x3FB6];
	_ =	sdelay $0x3  }
0x37: {  	[smem:$0x3FB6] =	sst s10  }
0x38: {  	s10 =	sld [smem:$0x3FB7]  }
0x39: {  	_ = 	snop;
	(pc) =	sbr.ind lr, $3  }
0x3a: {  	_ = 	snop  }
0x3b: {  	_ = 	snop  }
0x3c: {  	p2 =	seq.s32 s10, $0x1;
	s10 =	sld [smem:$0x3FB6]  }
0x3d: {  	_ =	shalt  }
0x3e: {  	_ =	shalt  }
0x3f: {  	_ =	shalt  }
0x40: {  	_ =	shalt  }
0x41: {  	_ =	shalt  }
0x42: {  	_ =	shalt  }
0x43: {  	_ =	shalt  }
0x44: {  	_ =	shalt  }
0x45: {  	_ =	shalt  }
0x46: {  	_ =	shalt  }
0x47: {  	_ =	shalt  }
0x48: {  	_ =	shalt  }
0x49: {  	_ =	shalt  }
0x4a: {  	_ =	shalt  }
0x4b: {  	_ =	shalt  }
0x4c: {  	_ =	shalt  }
0x4d: {  	_ =	shalt  }
0x4e: {  	_ =	shalt  }
0x4f: {  	_ =	shalt  }
0x50: {  	_ =	shalt  }
0x51: {  	_ =	shalt  }
0x52: {  	_ =	shalt  }
0x53: {  	_ =	shalt  }
0x54: {  	_ =	shalt  }
0x55: {  	_ =	shalt  }
0x56: {  	_ =	shalt  }
0x57: {  	_ =	shalt  }
0x58: {  	_ =	shalt  }
0x59: {  	_ =	shalt  }
0x5a: {  	_ =	shalt  }
0x5b: {  	_ =	shalt  }
0x5c: {  	_ =	shalt  }
0x5d: {  	_ =	shalt  }
0x5e: {  	_ =	shalt  }
0x5f: {  	_ =	shalt  }
0x60: {  	_ =	shalt  }
0x61: {  	_ =	shalt  }
0x62: {  	_ =	shalt  }
0x63: {  	_ =	shalt  }
0x64: {  	_ =	shalt  }
0x65: {  	_ =	shalt  }
0x66: {  	_ =	shalt  }
0x67: {  	_ =	shalt  }
0x68: {  	_ =	shalt  }
0x69: {  	_ =	shalt  }
0x6a: {  	_ =	shalt  }
0x6b: {  	_ =	shalt  }
0x6c: {  	_ =	shalt  }
0x6d: {  	_ =	shalt  }
0x6e: {  	_ =	shalt  }
0x6f: {  	_ =	shalt  }
0x70: {  	_ =	shalt  }
0x71: {  	_ =	shalt  }
0x72: {  	_ =	shalt  }
0x73: {  	_ =	shalt  }
0x74: {  	_ =	shalt  }
0x75: {  	_ =	shalt  }
0x76: {  	_ =	shalt  }
0x77: {  	_ =	shalt  }
0x78: {  	_ =	shalt  }
0x79: {  	_ =	shalt  }
0x7a: {  	_ =	shalt  }
0x7b: {  	_ =	shalt  }
0x7c: {  	_ =	shalt  }
0x7d: {  	_ =	shalt  }
0x7e: {  	_ =	shalt  }
0x7f: {  	_ =	shalt  }
0x80: {  	_ =	shalt  }
0x81: {  	_ =	shalt  }
0x82: {  	_ =	shalt  }
0x83: {  	_ =	shalt  }
0x84: {  	_ =	shalt  }
0x85: {  	_ =	shalt  }
0x86: {  	_ =	shalt  }
0x87: {  	_ =	shalt  }
.Lfunc_end0:
.L_simem_size_0:
called_computation.2_lowered:
.L_overlay_start_0:
0x88: {  	s2 =	sld [smem:$0x3FD9]  }
0x89: {  	s3 =	sld [smem:$0x3FFE];
	_ =	sdelay $0x1  }
0x8a: {  	s1 =	srdreg.scid  }
0x8b: {  	s0 =	sand.u32 $0x1, s1  }
0x8c: {  	s17 =	sshll.u32 s0, $0xA;
	s2 =	sadd.s32 s3, s2  }
0x8d: {  	s2 =	sadd.s32 s2, s17  }
0x8e: {  	[smem:$0x3FC2] =	sst s2  }
0x8f: {  	_ = 	snop  }
0x90: {  	s2 =	sld [smem:$0x3FD0];
	(tm) =	ssettm $0x1  }
0x91: {  	s18 =	sld [smem:$0x3FFB];
	_ =	sdelay $0x3  }
0x92: {  	_ =	strace s18  }
0x93: {  	s3 =	sld [smem:$0x3FFC];
	_ =	sdelay $0x3  }
0x94: {  	_ =	strace s3  }
0x95: {  	s3 =	sld [smem:$0x3FFD];
	_ =	sdelay $0x3  }
0x96: {  	_ =	strace s3  }
0x97: {  	_ =	strace $0x8FFFFFFF  }
0x98: {  	s19 =	sld [smem:$0x3FDB];
	_ =	sdelay $0x1  }
0x99: {  	s4 =	simm.s32 $_scs_section_size  }
0x9a: {  	s5 =	simm.s32 $_size__tile_overlayer_lowered;
	s6 =	simm.s32 $_tile_overlayer_lowered  }
0x9b: {  	s22 =	simm.s32 $0x1BFF;
	s21 =	sshll.u32 s6, $0x1;
	s3 =	sadd.s32 s4, s19  }
0x9c: {  	s7 =	simm.s32 $0x0;
	s20 =	sshll.u32 s5, $0x1;
	s5 =	sadd.s32 s21, s3  }
0x9d: {  	[timem:s7], [sflag:s22] =	dma.local [hbm:s5], s20  }
0x9e: {  	_ =	swait.ge [sflag:s22], s20  }
0x9f: {  	s4 =	ssub.s32 $0x0, s20;
	[sflag:s22] =	ssyncset.done $0x0  }
0xa0: {  	[sflag:s22] =	ssyncadd.s32 s4;
	_ =	sdelay $0x1  }
0xa1: {  	s23 =	simm.s32 $0x1B8B  }
0xa2: {  	_ =	swait.ge [sflag:s23], $0x1  }
0xa3: {  	[sflag:s23] =	ssyncset.done $0x0  }
0xa4: {  	s25 =	simm.s32 $0x1B8E;
	s24 =	sld [smem:$0x3FFE];
	[sflag:s23] =	ssyncadd.s32 $0xFFFFFFFF  }
0xa5: {  	s26 =	simm.s32 $execute0_lowered;
	[smem:$0x3FD2] =	sst s25  }
0xa6: {  	s5 =	sshll.u32 s26, $0x1;
	_ =	strace $0x8000004C;
	[dreg:$0x1] =	wrdreg $0xFFFFFFFF  }
0xa7: {  	s28 =	simm.s32 $_size_execute0_lowered;
	s3 =	sadd.s32 s3, s5;
	[dreg:$0x0] =	wrdreg $0x0  }
0xa8: {  	s5 =	sshll.u32 s28, $0x1;
	[dreg:$0x2] =	wrdreg s3  }
0xa9: {  	[dreg:$0x3] =	wrdreg s5  }
0xaa: {  	[dreg:$0x4] =	wrdreg $0xC0  }
0xab: {  	_ =	task [dreg:s7], $0x5FFFF  }
0xac: {  	[dreg:$0x1] =	wrdreg $0xFFFFFFFF  }
0xad: {  	[dreg:$0x0] =	wrdreg $0x60  }
0xae: {  	[dreg:$0x2] =	wrdreg s24  }
0xaf: {  	[dreg:$0x3] =	wrdreg s2  }
0xb0: {  	[dreg:$0x4] =	wrdreg $0x9  }
0xb1: {  	_ =	task.clear_ibuf [dreg:s7], $0x5FFFF;
	_ =	strace $0x9000004C  }
0xb2: {  	s29 =	simm.s32 $0x9;
	_ =	strace $0x8000004E  }
0xb3: {  	_ =	swait.ge [sflag:s29], $0x1  }
0xb4: {  	[sflag:s29] =	ssyncadd.s32 $0xFFFFFFFF  }
0xb5: {  	_ =	strace $0x9000004E  }
0xb6: {  	_ =	sfence  }
0xb7: {  	s30 =	sld [smem:$0x0];
	_ =	sdelay $0x2  }
0xb8: {  	s31 =	sshll.u32 s1, $0xD;
	s1 =	sshrl.u32 s1, $0x2  }
0xb9: {  	s3 =	sand.u32 $0x4000, s31;
	s1 =	sadd.s32 s1, s30  }
0xba: {  	s0 =	sor.u32 s3, s0;
	s1 =	sshll.u32 s1, $0x11  }
0xbb: {  	s0 =	sor.u32 s1, s0  }
0xbc: {  	s0 =	sadd.s32 $0x8F2B, s0  }
0xbd: {  	[sflag:s0] =	ssyncadd.remote.s32 $0x1  }
0xbe: {  	_ =	sfence.sel $0xFFFF  }
0xbf: {  	[dreg:$0x0] =	wrdreg $0xFFFFFFFF;
	(pc) =	sbr.abs _section_cstart, $3  }
0xc0: {  	[dreg:$0x1] =	wrdreg $0xFFFFFFFF  }
0xc1: {  	_ =	task.clear_ibuf [dreg:s7], $0x2FFFF;
	_ =	strace $0x9FFFFFFF  }
0xc2: {  	(tm) =	ssettm $0x7FFFFFFF  }
0xc3: {  	_ =	shalt  }
tec
execute0_lowered:
.L_overlay_start_1:
0x0: {  	(tag) =	ssettag $0x1  }
0x1: {  	s1 =	srdreg.scid;
	s0 =	stileid.u32  }
0x2: {  	s4 =	rddreg [dreg:$0x0];
	s17 =	simm.s32 $0x880;
	s18 =	simm.s32 $0x1080  }
0x3: {  	s19 =	simm.s32 $0x1880;
	s21 =	simm.s32 $0x2080;
	s22 =	simm.s32 $0x2880  }
0x4: {  	s23 =	simm.s32 $0x3080;
	s1 =	sand.u32 $0x1, s1;
	s2 =	sshll.u32 s0, $0x1  }
0x5: {  	s24 =	simm.s32 $0x3880;
	s3 =	sshll.u32 s0, $0x4;
	s5 =	sor.u32 s1, s2  }
0x6: {  	s2 =	rddreg [dreg:$0x1];
	s7 =	sand.u32 $0x80, s3;
	s3 =	simm.s32 $0x0  }
0x7: {  	s8 =	simm.s32 $0x4080;
	s25 =	simm.s32 $0x4880;
	[smem:$0x7FF] =	sst s3  }
0x8: {  	s26 =	simm.s32 $0x5080;
	_ =	strace $0x8000004D;
	[dreg:$0x5] =	wrdreg s17  }
0x9: {  	s9 =	simm.s32 $0x80;
	s11 =	simm.s32 $0x6080;
	[dreg:$0x6] =	wrdreg s18  }
0xa: {  	s12 =	simm.s32 $0x6880;
	s13 =	simm.s32 $0x7080;
	[dreg:$0x7] =	wrdreg s19  }
0xb: {  	s14 =	simm.s32 $0x7880;
	s15 =	simm.s32 $0x8080;
	[dreg:$0x8] =	wrdreg s21  }
0xc: {  	s28 =	simm.s32 $0xE080;
	s29 =	simm.s32 $0xE880;
	[dreg:$0x9] =	wrdreg s22  }
0xd: {  	s30 =	simm.s32 $0xF080;
	s31 =	simm.s32 $0xF880;
	[dreg:$0xa] =	wrdreg s23  }
0xe: {  	s1 =	ssub.s32 $0x2, s1;
	s6 =	sshll.u32 s5, $0x3;
	[dreg:$0xb] =	wrdreg s24  }
0xf: {  	s5 =	sshll.u32 s5, $0xD;
	s20 =	sshrl.u32 s1, $0x1;
	[dreg:$0xc] =	wrdreg s8  }
0x10: {  	s6 =	sadd.s32 s6, s7;
	s1 =	ssub.s32 s1, s20;
	[dreg:$0xd] =	wrdreg s25  }
0x11: {  	s8 =	simm.s32 $0x2;
	[dreg:$0xe] =	wrdreg s26;
	s17 =	simm.s32 $0x9080  }
0x12: {  	s18 =	simm.s32 $0x9880;
	s19 =	simm.s32 $0xA080;
	s20 =	simm.s32 $0xA880  }
0x13: {  	s21 =	simm.s32 $0xB080;
	s22 =	simm.s32 $0xB880;
	s23 =	simm.s32 $0xC080  }
0x14: {  	s24 =	simm.s32 $0xC880;
	s25 =	simm.s32 $0xD080;
	s26 =	simm.s32 $0xD880  }
0x15: {  	s6 =	sadd.s32 s6, s4;
	s4 =	sadd.s32 s5, s4;
	s5 =	sadd.s32 $0x200, s2  }
0x16: {  	v2 =	vlaneseq.u32;
	s7 =	smax.u32 s1, $0x1;
	s1 =	simm.s32 $0x1;
	s16 =	sadd.s32 $0x1800, s6  }
0x17: {  	vm0 =	vmmov $0xffff;
	v1 =	vshrl.u32 v2, $0x3;
	s4 =	sadd.s32 $0x1A00, s4;
	s6 =	sadd.s32 $0x300, s2;
	[dreg:$0x3] =	wrdreg s16  }
0x18: {  	v0 =	vand.u32 $0x7, v2;
	v2 =	vor.u32 $0x8, v2;
	v1 =	vmul.u32 $0x8, v1;
	[dreg:$0x4] =	wrdreg s4;
	s4 =	sadd.s32 $0x100, s2;
	s16 =	simm.s32 $0x8880  }
.LBB2_1:
0x19: {  	s0 =	rddreg [dreg:$0x3]  }
0x1a: {  	[tilespmem:s3], [sflag:$0x2] =	stream.linear.gather [hbm4b:s0+s3], $0x40, $0x38;
	[tilespmem:$0x10080] =	vst v63  }
0x1b: {  	_ =	swait.ge [sflag:s8], $0x40  }
0x1c: {  	[sflag:s8] =	ssyncset.done $0x0  }
0x1d: {  	s10 =	rddreg [dreg:$0x4];
	[sflag:s8] =	ssyncadd.s32 $0xFFFFFFC0  }
0x1e: {  	[tilespmem:s9], [sflag:$0x2] =	stream.linear.gather [hbm4b:s10+s3], $0x10000, $0x38;
	[tilespmem:$0x10080] =	vst v63  }
0x1f: {  	_ =	swait.ge [sflag:s8], $0x10000  }
0x20: {  	[sflag:s8] =	ssyncset.done $0x0  }
0x21: {  	[sflag:s8] =	ssyncadd.s32 $0xFFFF0000  }
0x22: {  	v3 =	vld [tilespmem:$0x0];
	_ =	sdelay $0x4  }
0x23: {  	v4 =	vshll.u32 v3, $0x3  }
0x24: {  	v3 =	vand.u32 $0x7, v3;
	v4 =	vand.u32 $0xFFFFFFC0, v4  }
0x25: {  	v3 =	vor.u32 v3, v4  }
0x26: {  	v4 =	vperm.xlane v3, v0;
	_ =	sdelay $0x1  }
0x27: {  	v4 =	vadd.s32 v1, v4;
	_ =	sdelay $0x4  }
0x28: {  	[hbm4b:s2+s3] =	stream.indirect_vreg.scatter [tilespmem:s9], [sflag:$0x1], $0x80, v4, vm0, $0xb8;
	[tilespmem:$0x10080] =	vst v63  }
0x29: {  	s0 =	rddreg [dreg:$0x5];
	v3 =	vperm.xlane v3, v2  }
0x2a: {  	[hbm4b:s4+s3] =	stream.indirect_vreg.scatter [tilespmem:s0], [sflag:$0x1], $0x80, v4, vm0, $0xb8;
	[tilespmem:$0x10080] =	vst v63  }
0x2b: {  	s10 =	rddreg [dreg:$0x6];
	v3 =	vadd.s32 v1, v3  }
0x2c: {  	[hbm4b:s5+s3] =	stream.indirect_vreg.scatter [tilespmem:s10], [sflag:$0x1], $0x80, v4, vm0, $0xb8;
	[tilespmem:$0x10080] =	vst v63  }
0x2d: {  	s0 =	rddreg [dreg:$0x7]  }
0x2e: {  	[hbm4b:s6+s3] =	stream.indirect_vreg.scatter [tilespmem:s0], [sflag:$0x1], $0x80, v4, vm0, $0xb8;
	[tilespmem:$0x10080] =	vst v63  }
0x2f: {  	s10 =	rddreg [dreg:$0x8]  }
0x30: {  	[hbm4b:s2+s3] =	stream.indirect_vreg.scatter [tilespmem:s10], [sflag:$0x1], $0x80, v3, vm0, $0xb8;
	[tilespmem:$0x10080] =	vst v63  }
0x31: {  	s0 =	rddreg [dreg:$0x9]  }
0x32: {  	[hbm4b:s4+s3] =	stream.indirect_vreg.scatter [tilespmem:s0], [sflag:$0x1], $0x80, v3, vm0, $0xb8;
	[tilespmem:$0x10080] =	vst v63  }
0x33: {  	s10 =	rddreg [dreg:$0xa]  }
0x34: {  	[hbm4b:s5+s3] =	stream.indirect_vreg.scatter [tilespmem:s10], [sflag:$0x1], $0x80, v3, vm0, $0xb8;
	[tilespmem:$0x10080] =	vst v63  }
0x35: {  	s0 =	rddreg [dreg:$0xb]  }
0x36: {  	[hbm4b:s6+s3] =	stream.indirect_vreg.scatter [tilespmem:s0], [sflag:$0x1], $0x80, v3, vm0, $0xb8;
	[tilespmem:$0x10080] =	vst v63  }
0x37: {  	v3 =	vld [tilespmem:$0x10];
	_ =	sdelay $0x4  }
0x38: {  	v61 =	vshll.u32 v3, $0x3  }
0x39: {  	v3 =	vand.u32 $0x7, v3;
	v4 =	vand.u32 $0xFFFFFFC0, v61  }
0x3a: {  	v3 =	vor.u32 v3, v4  }
0x3b: {  	v4 =	vperm.xlane v3, v0;
	_ =	sdelay $0x1  }
0x3c: {  	v4 =	vadd.s32 v1, v4;
	_ =	sdelay $0x3  }
0x3d: {  	s0 =	rddreg [dreg:$0xc]  }
0x3e: {  	[hbm4b:s2+s3] =	stream.indirect_vreg.scatter [tilespmem:s0], [sflag:$0x1], $0x80, v4, vm0, $0xb8;
	[tilespmem:$0x10080] =	vst v63  }
0x3f: {  	s10 =	rddreg [dreg:$0xd];
	v3 =	vperm.xlane v3, v2  }
0x40: {  	[hbm4b:s4+s3] =	stream.indirect_vreg.scatter [tilespmem:s10], [sflag:$0x1], $0x80, v4, vm0, $0xb8;
	[tilespmem:$0x10080] =	vst v63  }
0x41: {  	v3 =	vadd.s32 v1, v3;
	s0 =	rddreg [dreg:$0xe]  }
0x42: {  	[hbm4b:s5+s3] =	stream.indirect_vreg.scatter [tilespmem:s0], [sflag:$0x1], $0x80, v4, vm0, $0xb8;
	[tilespmem:$0x10080] =	vst v63  }
0x43: {  	s10 =	simm.s32 $0x5880  }
0x44: {  	[hbm4b:s6+s3] =	stream.indirect_vreg.scatter [tilespmem:s10], [sflag:$0x1], $0x80, v4, vm0, $0xb8;
	[tilespmem:$0x10080] =	vst v63  }
0x45: {  	_ = 	snop  }
0x46: {  	[hbm4b:s2+s3] =	stream.indirect_vreg.scatter [tilespmem:s11], [sflag:$0x1], $0x80, v3, vm0, $0xb8;
	[tilespmem:$0x10080] =	vst v63  }
0x47: {  	_ = 	snop  }
0x48: {  	[hbm4b:s4+s3] =	stream.indirect_vreg.scatter [tilespmem:s12], [sflag:$0x1], $0x80, v3, vm0, $0xb8;
	[tilespmem:$0x10080] =	vst v63  }
0x49: {  	_ = 	snop  }
0x4a: {  	[hbm4b:s5+s3] =	stream.indirect_vreg.scatter [tilespmem:s13], [sflag:$0x1], $0x80, v3, vm0, $0xb8;
	[tilespmem:$0x10080] =	vst v63  }
0x4b: {  	_ = 	snop  }
0x4c: {  	[hbm4b:s6+s3] =	stream.indirect_vreg.scatter [tilespmem:s14], [sflag:$0x1], $0x80, v3, vm0, $0xb8;
	[tilespmem:$0x10080] =	vst v63  }
0x4d: {  	v3 =	vld [tilespmem:$0x20];
	_ =	sdelay $0x4  }
0x4e: {  	v62 =	vshll.u32 v3, $0x3  }
0x4f: {  	v3 =	vand.u32 $0x7, v3;
	v4 =	vand.u32 $0xFFFFFFC0, v62  }
0x50: {  	v3 =	vor.u32 v3, v4  }
0x51: {  	v4 =	vperm.xlane v3, v0;
	_ =	sdelay $0x1  }
0x52: {  	v4 =	vadd.s32 v1, v4;
	_ =	sdelay $0x4  }
0x53: {  	[hbm4b:s2+s3] =	stream.indirect_vreg.scatter [tilespmem:s15], [sflag:$0x1], $0x80, v4, vm0, $0xb8;
	[tilespmem:$0x10080] =	vst v63  }
0x54: {  	v3 =	vperm.xlane v3, v2  }
0x55: {  	[hbm4b:s4+s3] =	stream.indirect_vreg.scatter [tilespmem:s16], [sflag:$0x1], $0x80, v4, vm0, $0xb8;
	[tilespmem:$0x10080] =	vst v63  }
0x56: {  	v3 =	vadd.s32 v1, v3  }
0x57: {  	[hbm4b:s5+s3] =	stream.indirect_vreg.scatter [tilespmem:s17], [sflag:$0x1], $0x80, v4, vm0, $0xb8;
	[tilespmem:$0x10080] =	vst v63  }
0x58: {  	_ = 	snop  }
0x59: {  	[hbm4b:s6+s3] =	stream.indirect_vreg.scatter [tilespmem:s18], [sflag:$0x1], $0x80, v4, vm0, $0xb8;
	[tilespmem:$0x10080] =	vst v63  }
0x5a: {  	_ = 	snop  }
0x5b: {  	[hbm4b:s2+s3] =	stream.indirect_vreg.scatter [tilespmem:s19], [sflag:$0x1], $0x80, v3, vm0, $0xb8;
	[tilespmem:$0x10080] =	vst v63  }
0x5c: {  	_ = 	snop  }
0x5d: {  	[hbm4b:s4+s3] =	stream.indirect_vreg.scatter [tilespmem:s20], [sflag:$0x1], $0x80, v3, vm0, $0xb8;
	[tilespmem:$0x10080] =	vst v63  }
0x5e: {  	_ = 	snop  }
0x5f: {  	[hbm4b:s5+s3] =	stream.indirect_vreg.scatter [tilespmem:s21], [sflag:$0x1], $0x80, v3, vm0, $0xb8;
	[tilespmem:$0x10080] =	vst v63  }
0x60: {  	_ = 	snop  }
0x61: {  	[hbm4b:s6+s3] =	stream.indirect_vreg.scatter [tilespmem:s22], [sflag:$0x1], $0x80, v3, vm0, $0xb8;
	[tilespmem:$0x10080] =	vst v63  }
0x62: {  	v3 =	vld [tilespmem:$0x30];
	_ =	sdelay $0x4  }
0x63: {  	v63 =	vshll.u32 v3, $0x3  }
0x64: {  	v3 =	vand.u32 $0x7, v3;
	v4 =	vand.u32 $0xFFFFFFC0, v63  }
0x65: {  	v3 =	vor.u32 v3, v4  }
0x66: {  	v4 =	vperm.xlane v3, v0;
	_ =	sdelay $0x1  }
0x67: {  	v4 =	vadd.s32 v1, v4;
	_ =	sdelay $0x4  }
0x68: {  	[hbm4b:s2+s3] =	stream.indirect_vreg.scatter [tilespmem:s23], [sflag:$0x1], $0x80, v4, vm0, $0xb8;
	[tilespmem:$0x10080] =	vst v63  }
0x69: {  	v3 =	vperm.xlane v3, v2  }
0x6a: {  	[hbm4b:s4+s3] =	stream.indirect_vreg.scatter [tilespmem:s24], [sflag:$0x1], $0x80, v4, vm0, $0xb8;
	[tilespmem:$0x10080] =	vst v63  }
0x6b: {  	v3 =	vadd.s32 v1, v3  }
0x6c: {  	[hbm4b:s5+s3] =	stream.indirect_vreg.scatter [tilespmem:s25], [sflag:$0x1], $0x80, v4, vm0, $0xb8;
	[tilespmem:$0x10080] =	vst v63  }
0x6d: {  	_ = 	snop  }
0x6e: {  	[hbm4b:s6+s3] =	stream.indirect_vreg.scatter [tilespmem:s26], [sflag:$0x1], $0x80, v4, vm0, $0xb8;
	[tilespmem:$0x10080] =	vst v63  }
0x6f: {  	_ = 	snop  }
0x70: {  	[hbm4b:s2+s3] =	stream.indirect_vreg.scatter [tilespmem:s28], [sflag:$0x1], $0x80, v3, vm0, $0xb8;
	[tilespmem:$0x10080] =	vst v63  }
0x71: {  	_ = 	snop  }
0x72: {  	[hbm4b:s4+s3] =	stream.indirect_vreg.scatter [tilespmem:s29], [sflag:$0x1], $0x80, v3, vm0, $0xb8;
	[tilespmem:$0x10080] =	vst v63  }
0x73: {  	p0 =	sne.s32 s7, $0x1  }
0x74: {  	[hbm4b:s5+s3] =	stream.indirect_vreg.scatter [tilespmem:s30], [sflag:$0x1], $0x80, v3, vm0, $0xb8;
	[tilespmem:$0x10080] =	vst v63  }
.Ltmp0:
0x75: {  	_ = 	snop;
	(pc) =	sbr.rel @p0 .LBB2_1-.Ltmp0, $4  }
0x76: {  	[hbm4b:s6+s3] =	stream.indirect_vreg.scatter [tilespmem:s31], [sflag:$0x1], $0x80, v3, vm0, $0xb8;
	[tilespmem:$0x10080] =	vst v63  }
0x77: {  	_ =	swait.ge [sflag:s1], $0x10000  }
0x78: {  	[sflag:s1] =	ssyncset.done $0x0  }
0x79: {  	s7 =	sadd.s32 $0xFFFFFFFF, s7;
	[sflag:s1] =	ssyncadd.s32 $0xFFFF0000  }
0x7a: {  	_ =	sfence.sel $0x180000  }
0x7b: {  	[bflag:$0x0] =	sbarrier.arrive $0xFFFF  }
0x7c: {  	_ =	strace $0x9000004D  }
0x7d: {  	s0 =	stileid.u32;
	[bflag:$0x2] =	sbarrier.arrive $0xFFFF  }
0x7e: {  	p0 =	sne.s32 s0, $0x0;
	s0 =	rddreg [dreg:$0x2]  }
0x7f: {  	s0 =	sadd.s32 @!p0 $0x100000, s0  }
0x80: {  	[sflag:s0] =	ssyncadd.tile.s32 @!p0 $0x1;
	_ =	shalt  }
.Lfunc_end2:
_tile_overlayer_lowered:
.L_overlay_start_2:
0x81: {  	(tag) =	ssettag $0x2  }
0x82: {  	s0 =	rddreg [dreg:$0x0];
	s2 =	stileid.u32  }
0x83: {  	s1 =	rddreg [dreg:$0x1];
	p0 =	sne.s32 s2, $0x0  }
0x84: {  	s3 =	rddreg [dreg:$0x2];
	[bflag:$0x3] =	sbarrier.arrive $0xFFFF;
	s2 =	simm.s32 @!p0 $0x1C02  }
0x85: {  	[timem:s3], [sflag:s2] =	dma.local @!p0 [hbm:s0], s1  }
0x86: {  	s0 =	simm.s32 @!p0 $0x2  }
0x87: {  	_ =	swait.ge @!p0 [sflag:s0], s1  }
0x88: {  	s1 =	ssub.s32 @!p0 $0x0, s1;
	[sflag:s0] =	ssyncset.done @!p0 $0x0  }
0x89: {  	[sflag:s0] =	ssyncadd.s32 @!p0 s1  }
0x8a: {  	[bflag:$0x3] =	sbarrier.arrive $0xFFFF  }
0x8b: {  	_ =	shalt  }

// kernel: kernel.7.cloned.1.call-start
scs
__scs_entry_jumppad:
0x0: {  	(pc) =	sbr.rel $0x88, $3  }
0x1: {  	(tag) =	ssettag $0x0;
	lr =	simm.s32 $0x1  }
0x2: {  	[smem:$0x3F9B] =	sst lr;
	_ =	strace $0xD0000000  }
0x3: {  	_ = 	snop  }
0x4: {  	_ = 	snop  }
0x5: {  	_ = 	snop  }
0x6: {  	_ = 	snop  }
0x7: {  	_ = 	snop  }
__scs_overlays_trampoline_lowered:
0x8: {  	[smem:$0x3FAA] =	sst s0  }
0x9: {  	[smem:$0x3FAB] =	sst s1  }
0xa: {  	[smem:$0x3FAC] =	sst s2  }
0xb: {  	[smem:$0x3FAD] =	sst s3  }
0xc: {  	[smem:$0x3FAE] =	sst s4  }
0xd: {  	[smem:$0x3FAF] =	sst s5  }
0xe: {  	[smem:$0x3FB0] =	sst s6  }
0xf: {  	[smem:$0x3FB1] =	sst s7  }
0x10: {  	[smem:$0x3FB2] =	sst s8  }
0x11: {  	[smem:$0x3FB3] =	sst s9;
	s0 =	simm.s32 @!p0 $0x0  }
0x12: {  	s1 =	sld [smem:$0x3F99];
	s0 =	simm.s32 @p0 $0x1  }
0x13: {  	[smem:$0x3FB4] =	sst s0;
	s0 =	simm.s32 @!p1 $0x0  }
0x14: {  	s2 =	sld [smem:$0x3F98];
	s0 =	simm.s32 @p1 $0x1  }
0x15: {  	[smem:$0x3FB5] =	sst s0;
	s0 =	simm.s32 @!p2 $0x0  }
0x16: {  	s3 =	sld [smem:$0x3FDB];
	s0 =	simm.s32 @p2 $0x1  }
0x17: {  	s4 =	simm.s32 $0x1BF5;
	[smem:$0x3FB7] =	sst s0  }
0x18: {  	s0 =	sld [smem:$0x3F9A];
	_ =	swait.ge [sflag:s4], $0x0  }
0x19: {  	s7 =	sld [smem:$0x3F9B]  }
0x1a: {  	s8 =	sadd.s32 $0xFFFFE003, lr  }
0x1b: {  	s9 =	sadd.s32 $0xFFFFFEF7, lr;
	s5 =	simm.s32 $0xFFFFFFFF;
	p2 =	slt.u32 s8, $0xFFFFF086  }
0x1c: {  	p1 =	slt.u32 s9, $0xF7A;
	s5 =	simm.s32 @!p2 $0x0  }
0x1d: {  	s5 =	simm.s32 @p1 $0x1;
	p0 =	seq.s32 s7, s2  }
0x1e: {  	s7 =	smul.u32 @!p0 $0xF7A, s2;
	p2 =	seq.s32 @!p0 s5, $0x0  }
0x1f: {  	s9 =	smul.u32 $0xF7A, s1;
	s8 =	simm.s32 @!p0 $0x1BF5;
	p2 =	por !p2, p0  }
0x20: {  	[sflag:s8] =	ssyncset.s32 @!p0 $0xFFFFF086;
	s6 =	sadd.s32 @!p0 s3, s7;
	s7 =	simm.s32 @!p0 $0x108  }
0x21: {  	s3 =	sadd.s32 s3, s9;
	s6 =	sadd.s32 @!p0 $0x88, s6;
	s7 =	simm.s32 @p2 $0x1082  }
0x22: {  	[simem:s7], [sflag:s8] =	dma.local @!p0 [hbm:s6], $0xF7A  }
0x23: {  	s9 =	sor.u32 $0xD0000000, s2;
	s6 =	simm.s32 $0x108;
	_ =	swait.ge @!p0 [sflag:s8], $0x0  }
0x24: {  	s3 =	sadd.s32 $0x88, s3;
	s6 =	simm.s32 @!p1 $0x1082;
	[sflag:s4] =	ssyncset.s32 $0xFFFFF086  }
0x25: {  	[simem:s6], [sflag:s4] =	dma.local [hbm:s3], $0xF7A  }
0x26: {  	[smem:$0x3F9B] =	sst s1;
	(tag) =	ssettag s2;
	_ =	strace s9  }
0x27: {  	s1 =	sld [smem:$0x3FAB]  }
0x28: {  	s2 =	sld [smem:$0x3FAC]  }
0x29: {  	s4 =	sld [smem:$0x3FAE]  }
0x2a: {  	p0 =	seq.s32 s5, $0x0;
	s5 =	sld [smem:$0x3FAF]  }
0x2b: {  	s6 =	sld [smem:$0x3FB0]  }
0x2c: {  	s7 =	sld [smem:$0x3FB1]  }
0x2d: {  	s3 =	simm.s32 $0x108;
	s8 =	sld [smem:$0x3FB2]  }
0x2e: {  	s3 =	simm.s32 @!p0 $0x1082;
	s9 =	sld [smem:$0x3FB3]  }
0x2f: {  	lr =	sadd.s32 s0, s3;
	s0 =	sld [smem:$0x3FAA]  }
0x30: {  	s3 =	sld [smem:$0x3FAD]  }
0x31: {  	[smem:$0x3FB6] =	sst s10  }
0x32: {  	s10 =	sld [smem:$0x3FB4];
	_ =	sdelay $0x3  }
0x33: {  	p0 =	seq.s32 s10, $0x1;
	s10 =	sld [smem:$0x3FB6];
	_ =	sdelay $0x3  }
0x34: {  	[smem:$0x3FB6] =	sst s10  }
0x35: {  	s10 =	sld [smem:$0x3FB5];
	_ =	sdelay $0x3  }
0x36: {  	p1 =	seq.s32 s10, $0x1;
	s10 =	sld [smem:$0x3FB6];
	_ =	sdelay $0x3  }
0x37: {  	[smem:$0x3FB6] =	sst s10  }
0x38: {  	s10 =	sld [smem:$0x3FB7]  }
0x39: {  	_ = 	snop;
	(pc) =	sbr.ind lr, $3  }
0x3a: {  	_ = 	snop  }
0x3b: {  	_ = 	snop  }
0x3c: {  	p2 =	seq.s32 s10, $0x1;
	s10 =	sld [smem:$0x3FB6]  }
0x3d: {  	_ =	shalt  }
0x3e: {  	_ =	shalt  }
0x3f: {  	_ =	shalt  }
0x40: {  	_ =	shalt  }
0x41: {  	_ =	shalt  }
0x42: {  	_ =	shalt  }
0x43: {  	_ =	shalt  }
0x44: {  	_ =	shalt  }
0x45: {  	_ =	shalt  }
0x46: {  	_ =	shalt  }
0x47: {  	_ =	shalt  }
0x48: {  	_ =	shalt  }
0x49: {  	_ =	shalt  }
0x4a: {  	_ =	shalt  }
0x4b: {  	_ =	shalt  }
0x4c: {  	_ =	shalt  }
0x4d: {  	_ =	shalt  }
0x4e: {  	_ =	shalt  }
0x4f: {  	_ =	shalt  }
0x50: {  	_ =	shalt  }
0x51: {  	_ =	shalt  }
0x52: {  	_ =	shalt  }
0x53: {  	_ =	shalt  }
0x54: {  	_ =	shalt  }
0x55: {  	_ =	shalt  }
0x56: {  	_ =	shalt  }
0x57: {  	_ =	shalt  }
0x58: {  	_ =	shalt  }
0x59: {  	_ =	shalt  }
0x5a: {  	_ =	shalt  }
0x5b: {  	_ =	shalt  }
0x5c: {  	_ =	shalt  }
0x5d: {  	_ =	shalt  }
0x5e: {  	_ =	shalt  }
0x5f: {  	_ =	shalt  }
0x60: {  	_ =	shalt  }
0x61: {  	_ =	shalt  }
0x62: {  	_ =	shalt  }
0x63: {  	_ =	shalt  }
0x64: {  	_ =	shalt  }
0x65: {  	_ =	shalt  }
0x66: {  	_ =	shalt  }
0x67: {  	_ =	shalt  }
0x68: {  	_ =	shalt  }
0x69: {  	_ =	shalt  }
0x6a: {  	_ =	shalt  }
0x6b: {  	_ =	shalt  }
0x6c: {  	_ =	shalt  }
0x6d: {  	_ =	shalt  }
0x6e: {  	_ =	shalt  }
0x6f: {  	_ =	shalt  }
0x70: {  	_ =	shalt  }
0x71: {  	_ =	shalt  }
0x72: {  	_ =	shalt  }
0x73: {  	_ =	shalt  }
0x74: {  	_ =	shalt  }
0x75: {  	_ =	shalt  }
0x76: {  	_ =	shalt  }
0x77: {  	_ =	shalt  }
0x78: {  	_ =	shalt  }
0x79: {  	_ =	shalt  }
0x7a: {  	_ =	shalt  }
0x7b: {  	_ =	shalt  }
0x7c: {  	_ =	shalt  }
0x7d: {  	_ =	shalt  }
0x7e: {  	_ =	shalt  }
0x7f: {  	_ =	shalt  }
0x80: {  	_ =	shalt  }
0x81: {  	_ =	shalt  }
0x82: {  	_ =	shalt  }
0x83: {  	_ =	shalt  }
0x84: {  	_ =	shalt  }
0x85: {  	_ =	shalt  }
0x86: {  	_ =	shalt  }
0x87: {  	_ =	shalt  }
.Lfunc_end0:
.L_simem_size_0:
called_computation_lowered:
.L_overlay_start_0:
0x88: {  	s2 =	sld [smem:$0x3FD9]  }
0x89: {  	s3 =	sld [smem:$0x3FFE];
	_ =	sdelay $0x1  }
0x8a: {  	s1 =	srdreg.scid  }
0x8b: {  	s0 =	sand.u32 $0x1, s1  }
0x8c: {  	s18 =	sshll.u32 s0, $0xA;
	s2 =	sadd.s32 s3, s2  }
0x8d: {  	s2 =	sadd.s32 s2, s18  }
0x8e: {  	[smem:$0x3FC2] =	sst s2  }
0x8f: {  	_ = 	snop  }
0x90: {  	s19 =	sld [smem:$0x3FC9]  }
0x91: {  	s4 =	sld [smem:$0x3FD0];
	(tm) =	ssettm $0x1  }
0x92: {  	s20 =	sld [smem:$0x3FFB];
	_ =	sdelay $0x3  }
0x93: {  	_ =	strace s20  }
0x94: {  	s2 =	sld [smem:$0x3FFC];
	_ =	sdelay $0x3  }
0x95: {  	_ =	strace s2  }
0x96: {  	s2 =	sld [smem:$0x3FFD];
	_ =	sdelay $0x3  }
0x97: {  	_ =	strace s2  }
0x98: {  	_ =	strace $0x8FFFFFFF  }
0x99: {  	s21 =	sld [smem:$0x3FDB];
	_ =	sdelay $0x1  }
0x9a: {  	s5 =	simm.s32 $_scs_section_size  }
0x9b: {  	s6 =	simm.s32 $_size__tile_overlayer_lowered;
	s7 =	simm.s32 $_tile_overlayer_lowered  }
0x9c: {  	s8 =	simm.s32 $0x1BFF;
	s22 =	sshll.u32 s7, $0x1;
	s5 =	sadd.s32 s5, s21  }
0x9d: {  	s23 =	simm.s32 $0x0;
	s6 =	sshll.u32 s6, $0x1;
	s7 =	sadd.s32 s22, s5  }
0x9e: {  	[timem:s23], [sflag:s8] =	dma.local [hbm:s7], s6  }
0x9f: {  	_ =	swait.ge [sflag:s8], s6  }
0xa0: {  	s6 =	ssub.s32 $0x0, s6;
	[sflag:s8] =	ssyncset.done $0x0  }
0xa1: {  	[sflag:s8] =	ssyncadd.s32 s6;
	_ =	sdelay $0x1  }
0xa2: {  	s24 =	simm.s32 $0x1B8B  }
0xa3: {  	_ =	swait.ge [sflag:s24], $0x1  }
0xa4: {  	[sflag:s24] =	ssyncset.done $0x0  }
0xa5: {  	[sflag:s24] =	ssyncadd.s32 $0xFFFFFFFF  }
0xa6: {  	s6 =	sld [smem:$0x0]  }
0xa7: {  	s7 =	sand.u32 $0xFFFFFFFE, s1  }
0xa8: {  	p0 =	sne.s32 s1, s7  }
0xa9: {  	s7 =	sshll.u32 @p0 s7, $0xE  }
0xaa: {  	s7 =	sadd.s32 @p0 $0x11B8D, s7;
	s8 =	sshll.u32 @p0 s6, $0x11  }
0xab: {  	s7 =	sor.u32 @p0 s8, s7  }
0xac: {  	[sflag:s7] =	ssyncadd.remote.s32 @p0 $0x1;
	_ =	sdelay $0x1  }
0xad: {  	s7 =	simm.s32 @p0 $0x1B8D  }
0xae: {  	_ =	swait.eq @p0 [sflag:s7], $0x1  }
0xaf: {  	[sflag:s7] =	ssyncadd.s32 @p0 $0xFFFFFFFF  }
0xb0: {  	s8 =	sshll.u32 @!p0 s1, $0xE  }
0xb1: {  	s8 =	sor.u32 @!p0 $0x4000, s8;
	s7 =	simm.s32 @!p0 $0x1B8D  }
0xb2: {  	s6 =	sshll.u32 @!p0 s6, $0x11;
	s8 =	sadd.s32 @!p0 $0x11B8D, s8;
	_ =	swait.eq @!p0 [sflag:s7], $0x1  }
0xb3: {  	s6 =	sor.u32 @!p0 s6, s8;
	[sflag:s7] =	ssyncadd.s32 @!p0 $0xFFFFFFFF  }
0xb4: {  	s25 =	simm.s32 $0x1B8E;
	[sflag:s6] =	ssyncadd.remote.s32 @!p0 $0x1  }
0xb5: {  	s26 =	simm.s32 $execute0_lowered;
	[smem:$0x3FD2] =	sst s25  }
0xb6: {  	s6 =	sshll.u32 s26, $0x1;
	_ =	strace $0x80000049;
	[dreg:$0x1] =	wrdreg $0xFFFFFFFF  }
0xb7: {  	s28 =	simm.s32 $_size_execute0_lowered;
	s5 =	sadd.s32 s5, s6;
	[dreg:$0x0] =	wrdreg $0x0  }
0xb8: {  	s6 =	sshll.u32 s28, $0x1;
	[dreg:$0x2] =	wrdreg s5  }
0xb9: {  	[dreg:$0x3] =	wrdreg s6  }
0xba: {  	[dreg:$0x4] =	wrdreg $0xC0  }
0xbb: {  	_ =	task [dreg:s23], $0x5FFFF  }
0xbc: {  	[dreg:$0x1] =	wrdreg $0xFFFFFFFF  }
0xbd: {  	[dreg:$0x0] =	wrdreg $0x60  }
0xbe: {  	[dreg:$0x2] =	wrdreg s19  }
0xbf: {  	[dreg:$0x3] =	wrdreg s4  }
0xc0: {  	[dreg:$0x4] =	wrdreg $0x9  }
0xc1: {  	_ =	task.clear_ibuf [dreg:s23], $0x5FFFF;
	_ =	strace $0x90000049  }
0xc2: {  	s29 =	simm.s32 $0x9;
	_ =	strace $0x8000004B  }
0xc3: {  	_ =	swait.ge [sflag:s29], $0x1  }
0xc4: {  	[sflag:s29] =	ssyncadd.s32 $0xFFFFFFFF  }
0xc5: {  	_ =	strace $0x9000004B  }
0xc6: {  	_ =	sfence  }
0xc7: {  	s30 =	sld [smem:$0x0];
	_ =	sdelay $0x2  }
0xc8: {  	s31 =	sshll.u32 s1, $0xD;
	s1 =	sshrl.u32 s1, $0x2  }
0xc9: {  	s4 =	sand.u32 $0x4000, s31;
	s1 =	sadd.s32 s1, s30  }
0xca: {  	s0 =	sor.u32 s4, s0;
	s1 =	sshll.u32 s1, $0x11  }
0xcb: {  	s0 =	sor.u32 s1, s0  }
0xcc: {  	s0 =	sadd.s32 $0x8F2B, s0  }
0xcd: {  	[sflag:s0] =	ssyncadd.remote.s32 $0x1  }
0xce: {  	_ =	sfence.sel $0xFFFF  }
0xcf: {  	[dreg:$0x0] =	wrdreg $0xFFFFFFFF;
	(pc) =	sbr.abs _section_cstart, $3  }
0xd0: {  	[dreg:$0x1] =	wrdreg $0xFFFFFFFF  }
0xd1: {  	_ =	task.clear_ibuf [dreg:s23], $0x2FFFF;
	_ =	strace $0x9FFFFFFF  }
0xd2: {  	(tm) =	ssettm $0x7FFFFFFF  }
0xd3: {  	_ =	shalt  }
tec
execute0_lowered:
.L_overlay_start_1:
0x0: {  	(tag) =	ssettag $0x1  }
0x1: {  	s6 =	rddreg [dreg:$0x0]  }
0x2: {  	s8 =	rddreg [dreg:$0x1];
	s2 =	srdreg.scid  }
0x3: {  	s0 =	rddreg [dreg:$0x2];
	s1 =	stileid.u32;
	s7 =	sand.u32 $0x1, s2  }
0x4: {  	s2 =	simm.s32 $0x0;
	s3 =	sshll.u32 s1, $0xF;
	s4 =	sshll.u32 s7, $0xE  }
0x5: {  	[smem:$0x7FF] =	sst s2;
	s9 =	sor.u32 s4, s3  }
0x6: {  	_ =	strace $0x8000004A;
	s3 =	simm.s32 $0x1;
	s4 =	sadd.s32 s6, s9  }
0x7: {  	[tilespmem:s2], [sflag:$0x1] =	stream.linear.gather [hbm4b:s4+s2], $0x10000, $0x38;
	v63 =	vld [tilespmem:$0x0]  }
0x8: {  	_ =	swait.ge [sflag:s3], $0x10000  }
0x9: {  	[sflag:s3] =	ssyncset.done $0x0  }
0xa: {  	s10 =	ssub.s32 $0x2, s7;
	s5 =	sadd.s32 s8, s9;
	[sflag:s3] =	ssyncadd.s32 $0xFFFF0000  }
0xb: {  	[hbm4b:s5+s2] =	stream.linear.scatter [tilespmem:s2], [sflag:$0x1], $0x10000, $0x38;
	v63 =	vld [tilespmem:$0x0]  }
0xc: {  	s7 =	simm.s32 $0x10000;
	s11 =	sshrl.u32 s10, $0x1;
	_ =	swait.ge [sflag:s3], $0x10000  }
0xd: {  	s9 =	sor.u32 $0x2000, s9;
	s10 =	ssub.s32 s10, s11;
	[sflag:s3] =	ssyncset.done $0x0  }
0xe: {  	s6 =	sadd.s32 s6, s9;
	s31 =	smax.u32 s10, $0x1;
	[sflag:s3] =	ssyncadd.s32 $0xFFFF0000  }
0xf: {  	[tilespmem:s7], [sflag:$0x1] =	stream.linear.gather [hbm4b:s6+s2], $0x10000, $0x38;
	v63 =	vld [tilespmem:$0x0]  }
0x10: {  	p0 =	sne.s32 s31, $0x1;
	_ =	swait.ge [sflag:s3], $0x10000  }
.Ltmp0:
0x11: {  	[sflag:s3] =	ssyncset.done $0x0;
	(pc) =	sbr.rel @!p0 .LBB2_2-.Ltmp0, $4  }
0x12: {  	s8 =	sadd.s32 s8, s9;
	[sflag:s3] =	ssyncadd.s32 $0xFFFF0000  }
0x13: {  	[hbm4b:s8+s2] =	stream.linear.scatter [tilespmem:s7], [sflag:$0x1], $0x10000, $0x38;
	v63 =	vld [tilespmem:$0x0]  }
0x14: {  	_ =	swait.ge [sflag:s3], $0x10000  }
0x15: {  	s9 =	sadd.s32 $0xFFFFFFFF, s31;
	[sflag:s3] =	ssyncset.done $0x0  }
.LBB2_1:
0x16: {  	p0 =	sne.s32 s9, $0x1;
	s9 =	sadd.s32 $0xFFFFFFFF, s9;
	[sflag:s3] =	ssyncadd.s32 $0xFFFF0000  }
0x17: {  	[tilespmem:s2], [sflag:$0x1] =	stream.linear.gather [hbm4b:s4+s2], $0x10000, $0x38;
	v63 =	vld [tilespmem:$0x0]  }
0x18: {  	_ =	swait.ge [sflag:s3], $0x10000  }
0x19: {  	[sflag:s3] =	ssyncset.done $0x0  }
0x1a: {  	[sflag:s3] =	ssyncadd.s32 $0xFFFF0000  }
0x1b: {  	[hbm4b:s5+s2] =	stream.linear.scatter [tilespmem:s2], [sflag:$0x1], $0x10000, $0x38;
	v63 =	vld [tilespmem:$0x0]  }
0x1c: {  	_ =	swait.ge [sflag:s3], $0x10000  }
0x1d: {  	[sflag:s3] =	ssyncset.done $0x0  }
0x1e: {  	[sflag:s3] =	ssyncadd.s32 $0xFFFF0000  }
0x1f: {  	[tilespmem:s7], [sflag:$0x1] =	stream.linear.gather [hbm4b:s6+s2], $0x10000, $0x38;
	v63 =	vld [tilespmem:$0x0]  }
0x20: {  	_ =	swait.ge [sflag:s3], $0x10000  }
.Ltmp1:
0x21: {  	[sflag:s3] =	ssyncset.done $0x0;
	(pc) =	sbr.rel @p0 .LBB2_1-.Ltmp1, $4  }
0x22: {  	[sflag:s3] =	ssyncadd.s32 $0xFFFF0000  }
0x23: {  	[hbm4b:s8+s2] =	stream.linear.scatter [tilespmem:s7], [sflag:$0x1], $0x10000, $0x38;
	v63 =	vld [tilespmem:$0x0]  }
0x24: {  	_ =	swait.ge [sflag:s3], $0x10000  }
0x25: {  	[sflag:s3] =	ssyncset.done $0x0  }
.LBB2_2:
0x26: {  	[sflag:s3] =	ssyncadd.s32 $0xFFFF0000  }
0x27: {  	_ =	sfence.sel $0x180000  }
0x28: {  	[bflag:$0x0] =	sbarrier.arrive $0xFFFF  }
0x29: {  	p0 =	sne.s32 s1, $0x0;
	_ =	strace $0x9000004A  }
0x2a: {  	s0 =	sadd.s32 @!p0 $0x100000, s0;
	[bflag:$0x2] =	sbarrier.arrive $0xFFFF  }
0x2b: {  	[sflag:s0] =	ssyncadd.tile.s32 @!p0 $0x1;
	_ =	shalt  }
.Lfunc_end2:
_tile_overlayer_lowered:
.L_overlay_start_2:
0x2c: {  	(tag) =	ssettag $0x2  }
0x2d: {  	s0 =	rddreg [dreg:$0x0];
	s2 =	stileid.u32  }
0x2e: {  	s1 =	rddreg [dreg:$0x1];
	p0 =	sne.s32 s2, $0x0  }
0x2f: {  	s3 =	rddreg [dreg:$0x2];
	[bflag:$0x3] =	sbarrier.arrive $0xFFFF;
	s2 =	simm.s32 @!p0 $0x1C01  }
0x30: {  	[timem:s3], [sflag:s2] =	dma.local @!p0 [hbm:s0], s1  }
0x31: {  	s0 =	simm.s32 @!p0 $0x1  }
0x32: {  	_ =	swait.ge @!p0 [sflag:s0], s1  }
0x33: {  	s1 =	ssub.s32 @!p0 $0x0, s1;
	[sflag:s0] =	ssyncset.done @!p0 $0x0  }
0x34: {  	[sflag:s0] =	ssyncadd.s32 @!p0 s1  }
0x35: {  	[bflag:$0x3] =	sbarrier.arrive $0xFFFF  }
0x36: {  	_ =	shalt  }

</sc_bundles>
